<compile_context>
chip_gen: v7x
topology: tpu7x:2x2x1
jax: 0.10.2.dev20260603
libtpu: 0.0.44.dev20260713+nightly
codegen_flags: <defaults>
</compile_context>

<pallas_src>
import functools

import jax
import jax.numpy as jnp
from jax import lax
from jax.experimental import pallas as pl
from jax.experimental.pallas import tpu as pltpu
from jax.experimental.pallas import tpu_sc as plsc

F32 = jnp.float32

NC = 2
NS = 16
NW = NC * NS

K_EDGE = 80
DW = 16
ZROWS = 125


def _make_deg(N, E):
    epw = E // NW
    nchunks = epw // K_EDGE
    rpt = N // NS
    mesh = plsc.VectorSubcoreMesh(core_axis_name="c", subcore_axis_name="s")

    @functools.partial(
        pl.kernel,
        mesh=mesh,
        out_type=jax.ShapeDtypeStruct((NC, N, DW), F32),
        compiler_params=pltpu.CompilerParams(use_tc_tiling_on_sc=False),
        scratch_types=[
            pltpu.VMEM((K_EDGE,), jnp.int32),
            pltpu.VMEM((K_EDGE, DW), F32),
            pltpu.VMEM((ZROWS, DW), F32),
            pltpu.VMEM_SHARED((N, DW), F32),
        ],
    )
    def deg_kernel(dst_hbm, out_hbm, dst_v, ones_v, zbuf, acc):
        c = lax.axis_index("c")
        s = lax.axis_index("s")
        wid = s * NC + c

        def ones_row(i, _):
            ones_v[i, :] = jnp.ones((DW,), F32)
            return 0

        def zero_row(i, _):
            zbuf[i, :] = jnp.zeros((DW,), F32)
            return 0

        lax.fori_loop(0, K_EDGE, ones_row, 0)
        lax.fori_loop(0, ZROWS, zero_row, 0)

        for k in range(rpt // ZROWS):
            pltpu.sync_copy(zbuf, acc.at[pl.ds(s * rpt + k * ZROWS, ZROWS)])
        plsc.subcore_barrier()

        base = wid * epw

        def chunk(j, _):
            off = base + j * K_EDGE
            pltpu.sync_copy(dst_hbm.at[pl.ds(off, K_EDGE)], dst_v)
            pltpu.sync_copy(ones_v, acc.at[dst_v], add=True)
            return 0

        lax.fori_loop(0, nchunks, chunk, 0)
        plsc.subcore_barrier()
        pltpu.sync_copy(
            acc.at[pl.ds(s * rpt, rpt)],
            out_hbm.at[c, pl.ds(s * rpt, rpt)],
        )

    return deg_kernel


def _make_prop(N, E, H):
    epw = E // NW
    nchunks = epw // K_EDGE
    rpt = N // NS
    mesh = plsc.VectorSubcoreMesh(core_axis_name="c", subcore_axis_name="s")

    @functools.partial(
        pl.kernel,
        mesh=mesh,
        out_type=jax.ShapeDtypeStruct((NC, N, H), F32),
        compiler_params=pltpu.CompilerParams(use_tc_tiling_on_sc=False),
        scratch_types=[
            pltpu.VMEM((K_EDGE,), jnp.int32),
            pltpu.VMEM((K_EDGE,), jnp.int32),
            pltpu.VMEM((K_EDGE, H), F32),
            pltpu.VMEM((ZROWS, H), F32),
            pltpu.VMEM_SHARED((N, H), F32),
            pltpu.SemaphoreType.DMA,
        ],
    )
    def prop_kernel(g_hbm, src_hbm, dst_hbm, out_hbm,
                    src_v, dst_v, rows_v, zbuf, acc, sem):
        c = lax.axis_index("c")
        s = lax.axis_index("s")
        wid = s * NC + c

        def zero_row(i, _):
            for j in range(H // 16):
                zbuf[i, pl.ds(j * 16, 16)] = jnp.zeros((16,), F32)
            return 0

        lax.fori_loop(0, ZROWS, zero_row, 0)
        for k in range(rpt // ZROWS):
            pltpu.sync_copy(zbuf, acc.at[pl.ds(s * rpt + k * ZROWS, ZROWS)])
        plsc.subcore_barrier()

        base = wid * epw

        def chunk(j, _):
            off = base + j * K_EDGE
            pltpu.sync_copy(src_hbm.at[pl.ds(off, K_EDGE)], src_v)
            pltpu.sync_copy(dst_hbm.at[pl.ds(off, K_EDGE)], dst_v)
            pltpu.async_copy(g_hbm.at[src_v], rows_v, sem).wait()
            pltpu.sync_copy(rows_v, acc.at[dst_v], add=True)
            return 0

        lax.fori_loop(0, nchunks, chunk, 0)
        plsc.subcore_barrier()
        pltpu.sync_copy(
            acc.at[pl.ds(s * rpt, rpt)],
            out_hbm.at[c, pl.ds(s * rpt, rpt)],
        )

    return prop_kernel


def _mm1(x, W1):
    def body(x_ref, w_ref, o_ref):
        o_ref[...] = jnp.dot(x_ref[...], w_ref[...],
                             preferred_element_type=F32)
    return pl.pallas_call(
        body,
        out_shape=jax.ShapeDtypeStruct((x.shape[0], W1.shape[1]), F32),
    )(x, W1)


def _scale_g(h, degp):
    def body(h_ref, d_ref, g_ref, dinv_ref):
        deg = d_ref[0, :, 0:1] + d_ref[1, :, 0:1] + 1.0
        dinv = lax.rsqrt(jnp.maximum(deg, 1.0))
        dinv_ref[...] = dinv
        g_ref[...] = h_ref[...] * dinv
    return pl.pallas_call(
        body,
        out_shape=(
            jax.ShapeDtypeStruct(h.shape, F32),
            jax.ShapeDtypeStruct((h.shape[0], 1), F32),
        ),
    )(h, degp)


def _mid_layer(acc, g, dinv, b, gamma, beta, W):
    def body(a_ref, g_ref, dinv_ref, b_ref, ga_ref, be_ref, w_ref, o_ref):
        dinv = dinv_ref[...]
        h = dinv * (a_ref[0] + a_ref[1] + g_ref[...]) + b_ref[...]
        mu = jnp.mean(h, axis=0, keepdims=True)
        xc = h - mu
        var = jnp.mean(xc * xc, axis=0, keepdims=True)
        z = ga_ref[...] * xc * lax.rsqrt(var + 1e-5) + be_ref[...]
        z = jnp.maximum(z, 0.0)
        o_ref[...] = jnp.dot(z, w_ref[...], preferred_element_type=F32) * dinv
    return pl.pallas_call(
        body,
        out_shape=jax.ShapeDtypeStruct(g.shape, F32),
    )(acc, g, dinv, b.reshape(1, -1), gamma.reshape(1, -1),
      beta.reshape(1, -1), W)


def _final_heads(acc, g, dinv, b3, Ws, bs, Wa, ba):
    def body(a_ref, g_ref, dinv_ref, b_ref, ws_ref, bs_ref, wa_ref, ba_ref,
             s_ref, al_ref):
        h = dinv_ref[...] * (a_ref[0] + a_ref[1] + g_ref[...]) + b_ref[...]
        s_ref[...] = jnp.dot(h, ws_ref[...],
                             preferred_element_type=F32) + bs_ref[...]
        al_ref[...] = jnp.dot(h, wa_ref[...],
                              preferred_element_type=F32) + ba_ref[...]
    n = g.shape[0]
    return pl.pallas_call(
        body,
        out_shape=(
            jax.ShapeDtypeStruct((n, Ws.shape[1]), F32),
            jax.ShapeDtypeStruct((n, Wa.shape[1]), F32),
        ),
    )(acc, g, dinv, b3.reshape(1, -1), Ws, bs.reshape(1, -1),
      Wa, ba.reshape(1, -1))


def kernel(x, edge_index, W1, b1, W2, b2, W3, b3, gamma, beta, Ws, bs, Wa, ba):
    N, _ = x.shape
    E = edge_index.shape[1]
    H = W1.shape[1]
    assert E % (NW * K_EDGE) == 0 and N % (NS * ZROWS) == 0

    src = edge_index[0]
    dst = edge_index[1]

    deg_k = _make_deg(N, E)
    prop_k = _make_prop(N, E, H)

    degp = deg_k(dst)
    h1 = _mm1(x, W1)
    g1, dinv = _scale_g(h1, degp)

    acc1 = prop_k(g1, src, dst)
    g2 = _mid_layer(acc1, g1, dinv, b1, gamma, beta, W2)
    acc2 = prop_k(g2, src, dst)
    g3 = _mid_layer(acc2, g2, dinv, b2, gamma, beta, W3)
    acc3 = prop_k(g3, src, dst)
    return _final_heads(acc3, g3, dinv, b3, Ws, bs, Wa, ba)

# --- scband reference (transcript-rebuilt; emitter-appended) ---
"""Pipeline reference for scband-layout-gnn-24378234372598 (READ-ONLY COPY).

The authoritative reference and input builder live on the scoring server;
editing this copy changes nothing except your own understanding.
"""

import jax, jax.numpy as jnp
import numpy as np

N = 10000
E = 320000
IN_DIM = 128
HID = 64

def setup_inputs(seed: int = 0):
    key = jax.random.key(seed)
    ks = jax.random.split(key, 16)
    inp = {}
    inp["x"] = jax.random.normal(ks[0], (N, IN_DIM), dtype=jnp.float32)
    inp["edge_index"] = jax.random.randint(ks[1], (2, E), 0, N, dtype=jnp.int32)
    inp["W1"] = jax.random.normal(ks[2], (IN_DIM, HID), dtype=jnp.float32) * 0.05
    inp["b1"] = jnp.zeros((HID,), dtype=jnp.float32)
    inp["W2"] = jax.random.normal(ks[3], (HID, HID), dtype=jnp.float32) * 0.05
    inp["b2"] = jnp.zeros((HID,), dtype=jnp.float32)
    inp["W3"] = jax.random.normal(ks[4], (HID, HID), dtype=jnp.float32) * 0.05
    inp["b3"] = jnp.zeros((HID,), dtype=jnp.float32)
    inp["gamma"] = jnp.ones((HID,), dtype=jnp.float32)
    inp["beta"] = jnp.zeros((HID,), dtype=jnp.float32)
    inp["Ws"] = jax.random.normal(ks[5], (HID, 4), dtype=jnp.float32) * 0.05
    inp["bs"] = jnp.zeros((4,), dtype=jnp.float32)
    inp["Wa"] = jax.random.normal(ks[6], (HID, 4), dtype=jnp.float32) * 0.05
    inp["ba"] = jnp.zeros((4,), dtype=jnp.float32)
    return inp

def _gcn(x, W, b, src, dst):
    n = x.shape[0]
    h = x @ W
    sl = jnp.arange(n, dtype=src.dtype)
    s = jnp.concatenate([src, sl])
    d = jnp.concatenate([dst, sl])
    deg = jax.ops.segment_sum(jnp.ones(s.shape[0], dtype=x.dtype), d, num_segments=n)
    dinv = jax.lax.rsqrt(jnp.maximum(deg, 1.0))
    norm = dinv[s] * dinv[d]
    msg = h[s] * norm[:, None]
    out = jax.ops.segment_sum(msg, d, num_segments=n)
    return out + b

def _bn(x, gamma, beta):
    mu = jnp.mean(x, axis=0)
    var = jnp.var(x, axis=0)
    return gamma * (x - mu) * jax.lax.rsqrt(var + 1e-5) + beta

def reference(x, edge_index, W1, b1, W2, b2, W3, b3, gamma, beta, Ws, bs, Wa, ba):
    src = edge_index[0]
    dst = edge_index[1]
    h = _gcn(x, W1, b1, src, dst)
    h = jax.nn.relu(_bn(h, gamma, beta))
    h = _gcn(h, W2, b2, src, dst)
    h = jax.nn.relu(_bn(h, gamma, beta))
    h = _gcn(h, W3, b3, src, dst)
    sizes = h @ Ws + bs
    aligns = h @ Wa + ba
    return (sizes, aligns)

if __name__ == "__main__":
    import jax
    _d = setup_inputs()
    print(jax.jit(kernel)(*tuple(_d.values())))

</pallas_src>

<mosaic_0001>
#map = affine_map<(d0, d1) -> (0, 0)>
#map1 = affine_map<(d0, d1) -> (0)>
#map2 = affine_map<(d0, d1) -> (0, 0, 0)>
module attributes {stable_mosaic.version = 14 : i64} {
  func.func @prop_kernel(%arg0: i32, %arg1: i32, %arg2: memref<10000x64xf32, #tpu.memory_space<hbm>>, %arg3: memref<320000xi32, #tpu.memory_space<hbm>>, %arg4: memref<320000xi32, #tpu.memory_space<hbm>>, %arg5: memref<2x10000x64xf32, #tpu.memory_space<hbm>>, %arg6: memref<80xi32, #tpu.memory_space<vmem>>, %arg7: memref<80xi32, #tpu.memory_space<vmem>>, %arg8: memref<80x64xf32, #tpu.memory_space<vmem>>, %arg9: memref<125x64xf32, #tpu.memory_space<vmem>>, %arg10: memref<10000x64xf32, #tpu.memory_space<vmem_shared>>, %arg11: memref<!tpu.dma_semaphore, #tpu.memory_space<semaphore_mem>>) attributes {dimension_semantics = [#tpu.dimension_semantics<core_parallel>, #tpu.dimension_semantics<subcore_parallel>], iteration_bounds = array<i64: 2, 16>, scalar_prefetch = 0 : i64, scratch_operands = 6 : i64, tpu.core_type = #tpu.core_type<sc_vector_subcore>, window_params = [{transform_indices = #map}, {transform_indices = #map1}, {transform_indices = #map1}, {transform_indices = #map2}]} {
    %mul3A = arith.constant 2 : i32
    %mul3A_0 = arith.muli %arg1, %mul3A : i32
    %add3A = arith.addi %mul3A_0, %arg0 : i32
    %scan3A = arith.constant 0 : i32
    %scan3A_1 = arith.constant 0 : i32
    %scan3A_2 = arith.constant 125 : i32
    %scan3A_3 = arith.addi %scan3A_1, %scan3A_2 : i32
    %scan3A_4 = arith.constant 1 : i32
    %scan3A_5 = scf.for %scan3A_41 = %scan3A_1 to %scan3A_3 step %scan3A_4 iter_args(%scan3A_42 = %scan3A) -> (i32)  : i32 {
      %broadcast_in_dim3A = arith.constant 0.000000e+00 : f32
      %broadcast_in_dim3A_43 = vector.broadcast %broadcast_in_dim3A : f32 to vector<16xf32>
      %swap3A = arith.index_cast %scan3A_41 : i32 to index
      %swap3A_44 = arith.constant 0 : index
      %swap3A_45 = tpu.vector_load %arg9[%swap3A, %swap3A_44] {strides = array<i32>} : memref<125x64xf32, #tpu.memory_space<vmem>>, vector<1x16xf32>,
      %swap3A_46 = vector.shape_cast %swap3A_45 : vector<1x16xf32> to vector<16xf32>
      %swap3A_47 = vector.shape_cast %broadcast_in_dim3A_43 : vector<16xf32> to vector<1x16xf32>
      tpu.vector_store %arg9[%swap3A, %swap3A_44], %swap3A_47 {strides = array<i32>} : memref<125x64xf32, #tpu.memory_space<vmem>>, vector<1x16xf32>,
      %broadcast_in_dim3A_48 = arith.constant 0.000000e+00 : f32
      %broadcast_in_dim3A_49 = vector.broadcast %broadcast_in_dim3A_48 : f32 to vector<16xf32>
      %swap3A_50 = arith.index_cast %scan3A_41 : i32 to index
      %swap3A_51 = arith.constant 16 : index
      %swap3A_52 = tpu.vector_load %arg9[%swap3A_50, %swap3A_51] {strides = array<i32>} : memref<125x64xf32, #tpu.memory_space<vmem>>, vector<1x16xf32>,
      %swap3A_53 = vector.shape_cast %swap3A_52 : vector<1x16xf32> to vector<16xf32>
      %swap3A_54 = vector.shape_cast %broadcast_in_dim3A_49 : vector<16xf32> to vector<1x16xf32>
      tpu.vector_store %arg9[%swap3A_50, %swap3A_51], %swap3A_54 {strides = array<i32>} : memref<125x64xf32, #tpu.memory_space<vmem>>, vector<1x16xf32>,
      %broadcast_in_dim3A_55 = arith.constant 0.000000e+00 : f32
      %broadcast_in_dim3A_56 = vector.broadcast %broadcast_in_dim3A_55 : f32 to vector<16xf32>
      %swap3A_57 = arith.index_cast %scan3A_41 : i32 to index
      %swap3A_58 = arith.constant 32 : index
      %swap3A_59 = tpu.vector_load %arg9[%swap3A_57, %swap3A_58] {strides = array<i32>} : memref<125x64xf32, #tpu.memory_space<vmem>>, vector<1x16xf32>,
      %swap3A_60 = vector.shape_cast %swap3A_59 : vector<1x16xf32> to vector<16xf32>
      %swap3A_61 = vector.shape_cast %broadcast_in_dim3A_56 : vector<16xf32> to vector<1x16xf32>
      tpu.vector_store %arg9[%swap3A_57, %swap3A_58], %swap3A_61 {strides = array<i32>} : memref<125x64xf32, #tpu.memory_space<vmem>>, vector<1x16xf32>,
      %broadcast_in_dim3A_62 = arith.constant 0.000000e+00 : f32
      %broadcast_in_dim3A_63 = vector.broadcast %broadcast_in_dim3A_62 : f32 to vector<16xf32>
      %swap3A_64 = arith.index_cast %scan3A_41 : i32 to index
      %swap3A_65 = arith.constant 48 : index
      %swap3A_66 = tpu.vector_load %arg9[%swap3A_64, %swap3A_65] {strides = array<i32>} : memref<125x64xf32, #tpu.memory_space<vmem>>, vector<1x16xf32>,
      %swap3A_67 = vector.shape_cast %swap3A_66 : vector<1x16xf32> to vector<16xf32>
      %swap3A_68 = vector.shape_cast %broadcast_in_dim3A_63 : vector<16xf32> to vector<1x16xf32>
      tpu.vector_store %arg9[%swap3A_64, %swap3A_65], %swap3A_68 {strides = array<i32>} : memref<125x64xf32, #tpu.memory_space<vmem>>, vector<1x16xf32>,
      %scan3A_69 = arith.constant 0 : i32
      scf.yield %scan3A_69 : i32
    }
    %scan3A_6 = arith.constant 125 : i32
    %mul3A_7 = arith.constant 625 : i32
    %mul3A_8 = arith.muli %arg1, %mul3A_7 : i32
    %add3A_9 = arith.constant 0 : i32
    %add3A_10 = arith.addi %mul3A_8, %add3A_9 : i32
    "tpu.region"() ({
      %run_scoped3A = tpu.sem_alloc : memref<!tpu.dma_semaphore, #tpu.memory_space<semaphore_mem>>
      %dma_start3A = arith.constant 0 : i32
      %dma_start3A_41 = tpu.memref_slice %arg10[%add3A_10, %dma_start3A] : memref<10000x64xf32, #tpu.memory_space<vmem_shared>> -> memref<125x64xf32, #tpu.memory_space<vmem_shared>>
      %dma_start3A_42 = arith.constant 0 : i32
      %dma_start3A_43 = tpu.memref_slice %arg10[%add3A_10, %dma_start3A_42] : memref<10000x64xf32, #tpu.memory_space<vmem_shared>> -> memref<125x64xf32, #tpu.memory_space<vmem_shared>>
      tpu.enqueue_dma source(%arg9 : memref<125x64xf32, #tpu.memory_space<vmem>>) target(%dma_start3A_43 : memref<125x64xf32, #tpu.memory_space<vmem_shared>>) target_semaphore(%run_scoped3A : memref<!tpu.dma_semaphore, #tpu.memory_space<semaphore_mem>>)
      %dma_wait3A = arith.constant 0 : i32
      %dma_wait3A_44 = tpu.memref_slice %arg10[%add3A_10, %dma_wait3A] : memref<10000x64xf32, #tpu.memory_space<vmem_shared>> -> memref<125x64xf32, #tpu.memory_space<vmem_shared>>
      %dma_wait3A_45 = arith.constant 0 : i32
      %dma_wait3A_46 = tpu.memref_slice %arg10[%add3A_10, %dma_wait3A_45] : memref<10000x64xf32, #tpu.memory_space<vmem_shared>> -> memref<125x64xf32, #tpu.memory_space<vmem_shared>>
      tpu.wait_dma2 semaphore(%run_scoped3A : memref<!tpu.dma_semaphore, #tpu.memory_space<semaphore_mem>>) src(%arg9 : memref<125x64xf32, #tpu.memory_space<vmem>>) dst(%dma_wait3A_46 : memref<125x64xf32, #tpu.memory_space<vmem_shared>>)
      tpu.yield
    }) : () -> ()
    %mul3A_11 = arith.constant 625 : i32
    %mul3A_12 = arith.muli %arg1, %mul3A_11 : i32
    %add3A_13 = arith.constant 125 : i32
    %add3A_14 = arith.addi %mul3A_12, %add3A_13 : i32
    "tpu.region"() ({
      %run_scoped3A = tpu.sem_alloc : memref<!tpu.dma_semaphore, #tpu.memory_space<semaphore_mem>>
      %dma_start3A = arith.constant 0 : i32
      %dma_start3A_41 = tpu.memref_slice %arg10[%add3A_14, %dma_start3A] : memref<10000x64xf32, #tpu.memory_space<vmem_shared>> -> memref<125x64xf32, #tpu.memory_space<vmem_shared>>
      %dma_start3A_42 = arith.constant 0 : i32
      %dma_start3A_43 = tpu.memref_slice %arg10[%add3A_14, %dma_start3A_42] : memref<10000x64xf32, #tpu.memory_space<vmem_shared>> -> memref<125x64xf32, #tpu.memory_space<vmem_shared>>
      tpu.enqueue_dma source(%arg9 : memref<125x64xf32, #tpu.memory_space<vmem>>) target(%dma_start3A_43 : memref<125x64xf32, #tpu.memory_space<vmem_shared>>) target_semaphore(%run_scoped3A : memref<!tpu.dma_semaphore, #tpu.memory_space<semaphore_mem>>)
      %dma_wait3A = arith.constant 0 : i32
      %dma_wait3A_44 = tpu.memref_slice %arg10[%add3A_14, %dma_wait3A] : memref<10000x64xf32, #tpu.memory_space<vmem_shared>> -> memref<125x64xf32, #tpu.memory_space<vmem_shared>>
      %dma_wait3A_45 = arith.constant 0 : i32
      %dma_wait3A_46 = tpu.memref_slice %arg10[%add3A_14, %dma_wait3A_45] : memref<10000x64xf32, #tpu.memory_space<vmem_shared>> -> memref<125x64xf32, #tpu.memory_space<vmem_shared>>
      tpu.wait_dma2 semaphore(%run_scoped3A : memref<!tpu.dma_semaphore, #tpu.memory_space<semaphore_mem>>) src(%arg9 : memref<125x64xf32, #tpu.memory_space<vmem>>) dst(%dma_wait3A_46 : memref<125x64xf32, #tpu.memory_space<vmem_shared>>)
      tpu.yield
    }) : () -> ()
    %mul3A_15 = arith.constant 625 : i32
    %mul3A_16 = arith.muli %arg1, %mul3A_15 : i32
    %add3A_17 = arith.constant 250 : i32
    %add3A_18 = arith.addi %mul3A_16, %add3A_17 : i32
    "tpu.region"() ({
      %run_scoped3A = tpu.sem_alloc : memref<!tpu.dma_semaphore, #tpu.memory_space<semaphore_mem>>
      %dma_start3A = arith.constant 0 : i32
      %dma_start3A_41 = tpu.memref_slice %arg10[%add3A_18, %dma_start3A] : memref<10000x64xf32, #tpu.memory_space<vmem_shared>> -> memref<125x64xf32, #tpu.memory_space<vmem_shared>>
      %dma_start3A_42 = arith.constant 0 : i32
      %dma_start3A_43 = tpu.memref_slice %arg10[%add3A_18, %dma_start3A_42] : memref<10000x64xf32, #tpu.memory_space<vmem_shared>> -> memref<125x64xf32, #tpu.memory_space<vmem_shared>>
      tpu.enqueue_dma source(%arg9 : memref<125x64xf32, #tpu.memory_space<vmem>>) target(%dma_start3A_43 : memref<125x64xf32, #tpu.memory_space<vmem_shared>>) target_semaphore(%run_scoped3A : memref<!tpu.dma_semaphore, #tpu.memory_space<semaphore_mem>>)
      %dma_wait3A = arith.constant 0 : i32
      %dma_wait3A_44 = tpu.memref_slice %arg10[%add3A_18, %dma_wait3A] : memref<10000x64xf32, #tpu.memory_space<vmem_shared>> -> memref<125x64xf32, #tpu.memory_space<vmem_shared>>
      %dma_wait3A_45 = arith.constant 0 : i32
      %dma_wait3A_46 = tpu.memref_slice %arg10[%add3A_18, %dma_wait3A_45] : memref<10000x64xf32, #tpu.memory_space<vmem_shared>> -> memref<125x64xf32, #tpu.memory_space<vmem_shared>>
      tpu.wait_dma2 semaphore(%run_scoped3A : memref<!tpu.dma_semaphore, #tpu.memory_space<semaphore_mem>>) src(%arg9 : memref<125x64xf32, #tpu.memory_space<vmem>>) dst(%dma_wait3A_46 : memref<125x64xf32, #tpu.memory_space<vmem_shared>>)
      tpu.yield
    }) : () -> ()
    %mul3A_19 = arith.constant 625 : i32
    %mul3A_20 = arith.muli %arg1, %mul3A_19 : i32
    %add3A_21 = arith.constant 375 : i32
    %add3A_22 = arith.addi %mul3A_20, %add3A_21 : i32
    "tpu.region"() ({
      %run_scoped3A = tpu.sem_alloc : memref<!tpu.dma_semaphore, #tpu.memory_space<semaphore_mem>>
      %dma_start3A = arith.constant 0 : i32
      %dma_start3A_41 = tpu.memref_slice %arg10[%add3A_22, %dma_start3A] : memref<10000x64xf32, #tpu.memory_space<vmem_shared>> -> memref<125x64xf32, #tpu.memory_space<vmem_shared>>
      %dma_start3A_42 = arith.constant 0 : i32
      %dma_start3A_43 = tpu.memref_slice %arg10[%add3A_22, %dma_start3A_42] : memref<10000x64xf32, #tpu.memory_space<vmem_shared>> -> memref<125x64xf32, #tpu.memory_space<vmem_shared>>
      tpu.enqueue_dma source(%arg9 : memref<125x64xf32, #tpu.memory_space<vmem>>) target(%dma_start3A_43 : memref<125x64xf32, #tpu.memory_space<vmem_shared>>) target_semaphore(%run_scoped3A : memref<!tpu.dma_semaphore, #tpu.memory_space<semaphore_mem>>)
      %dma_wait3A = arith.constant 0 : i32
      %dma_wait3A_44 = tpu.memref_slice %arg10[%add3A_22, %dma_wait3A] : memref<10000x64xf32, #tpu.memory_space<vmem_shared>> -> memref<125x64xf32, #tpu.memory_space<vmem_shared>>
      %dma_wait3A_45 = arith.constant 0 : i32
      %dma_wait3A_46 = tpu.memref_slice %arg10[%add3A_22, %dma_wait3A_45] : memref<10000x64xf32, #tpu.memory_space<vmem_shared>> -> memref<125x64xf32, #tpu.memory_space<vmem_shared>>
      tpu.wait_dma2 semaphore(%run_scoped3A : memref<!tpu.dma_semaphore, #tpu.memory_space<semaphore_mem>>) src(%arg9 : memref<125x64xf32, #tpu.memory_space<vmem>>) dst(%dma_wait3A_46 : memref<125x64xf32, #tpu.memory_space<vmem_shared>>)
      tpu.yield
    }) : () -> ()
    %mul3A_23 = arith.constant 625 : i32
    %mul3A_24 = arith.muli %arg1, %mul3A_23 : i32
    %add3A_25 = arith.constant 500 : i32
    %add3A_26 = arith.addi %mul3A_24, %add3A_25 : i32
    "tpu.region"() ({
      %run_scoped3A = tpu.sem_alloc : memref<!tpu.dma_semaphore, #tpu.memory_space<semaphore_mem>>
      %dma_start3A = arith.constant 0 : i32
      %dma_start3A_41 = tpu.memref_slice %arg10[%add3A_26, %dma_start3A] : memref<10000x64xf32, #tpu.memory_space<vmem_shared>> -> memref<125x64xf32, #tpu.memory_space<vmem_shared>>
      %dma_start3A_42 = arith.constant 0 : i32
      %dma_start3A_43 = tpu.memref_slice %arg10[%add3A_26, %dma_start3A_42] : memref<10000x64xf32, #tpu.memory_space<vmem_shared>> -> memref<125x64xf32, #tpu.memory_space<vmem_shared>>
      tpu.enqueue_dma source(%arg9 : memref<125x64xf32, #tpu.memory_space<vmem>>) target(%dma_start3A_43 : memref<125x64xf32, #tpu.memory_space<vmem_shared>>) target_semaphore(%run_scoped3A : memref<!tpu.dma_semaphore, #tpu.memory_space<semaphore_mem>>)
      %dma_wait3A = arith.constant 0 : i32
      %dma_wait3A_44 = tpu.memref_slice %arg10[%add3A_26, %dma_wait3A] : memref<10000x64xf32, #tpu.memory_space<vmem_shared>> -> memref<125x64xf32, #tpu.memory_space<vmem_shared>>
      %dma_wait3A_45 = arith.constant 0 : i32
      %dma_wait3A_46 = tpu.memref_slice %arg10[%add3A_26, %dma_wait3A_45] : memref<10000x64xf32, #tpu.memory_space<vmem_shared>> -> memref<125x64xf32, #tpu.memory_space<vmem_shared>>
      tpu.wait_dma2 semaphore(%run_scoped3A : memref<!tpu.dma_semaphore, #tpu.memory_space<semaphore_mem>>) src(%arg9 : memref<125x64xf32, #tpu.memory_space<vmem>>) dst(%dma_wait3A_46 : memref<125x64xf32, #tpu.memory_space<vmem_shared>>)
      tpu.yield
    }) : () -> ()
    %barrier3A = arith.constant 0 : index
    tpu.barrier barrier_id(%barrier3A)
    %mul3A_27 = arith.constant 10000 : i32
    %mul3A_28 = arith.muli %add3A, %mul3A_27 : i32
    %scan3A_29 = arith.constant 0 : i32
    %scan3A_30 = arith.constant 0 : i32
    %scan3A_31 = arith.constant 125 : i32
    %scan3A_32 = arith.addi %scan3A_30, %scan3A_31 : i32
    %scan3A_33 = arith.constant 1 : i32
    %scan3A_34 = scf.for %scan3A_41 = %scan3A_30 to %scan3A_32 step %scan3A_33 iter_args(%scan3A_42 = %scan3A_29) -> (i32)  : i32 {
      %mul3A_43 = arith.constant 80 : i32
      %mul3A_44 = arith.muli %scan3A_41, %mul3A_43 : i32
      %add3A_45 = arith.addi %mul3A_28, %mul3A_44 : i32
      "tpu.region"() ({
        %run_scoped3A = tpu.sem_alloc : memref<!tpu.dma_semaphore, #tpu.memory_space<semaphore_mem>>
        %dma_start3A_51 = tpu.memref_slice %arg3[%add3A_45] : memref<320000xi32, #tpu.memory_space<hbm>> -> memref<80xi32, #tpu.memory_space<hbm>>
        %dma_start3A_52 = tpu.memref_slice %arg3[%add3A_45] : memref<320000xi32, #tpu.memory_space<hbm>> -> memref<80xi32, #tpu.memory_space<hbm>>
        tpu.enqueue_dma source(%dma_start3A_52 : memref<80xi32, #tpu.memory_space<hbm>>) target(%arg6 : memref<80xi32, #tpu.memory_space<vmem>>) target_semaphore(%run_scoped3A : memref<!tpu.dma_semaphore, #tpu.memory_space<semaphore_mem>>)
        %dma_wait3A_53 = tpu.memref_slice %arg3[%add3A_45] : memref<320000xi32, #tpu.memory_space<hbm>> -> memref<80xi32, #tpu.memory_space<hbm>>
        %dma_wait3A_54 = tpu.memref_slice %arg3[%add3A_45] : memref<320000xi32, #tpu.memory_space<hbm>> -> memref<80xi32, #tpu.memory_space<hbm>>
        tpu.wait_dma2 semaphore(%run_scoped3A : memref<!tpu.dma_semaphore, #tpu.memory_space<semaphore_mem>>) src(%dma_wait3A_54 : memref<80xi32, #tpu.memory_space<hbm>>) dst(%arg6 : memref<80xi32, #tpu.memory_space<vmem>>)
        tpu.yield
      }) : () -> ()
      "tpu.region"() ({
        %run_scoped3A = tpu.sem_alloc : memref<!tpu.dma_semaphore, #tpu.memory_space<semaphore_mem>>
        %dma_start3A_51 = tpu.memref_slice %arg4[%add3A_45] : memref<320000xi32, #tpu.memory_space<hbm>> -> memref<80xi32, #tpu.memory_space<hbm>>
        %dma_start3A_52 = tpu.memref_slice %arg4[%add3A_45] : memref<320000xi32, #tpu.memory_space<hbm>> -> memref<80xi32, #tpu.memory_space<hbm>>
        tpu.enqueue_dma source(%dma_start3A_52 : memref<80xi32, #tpu.memory_space<hbm>>) target(%arg7 : memref<80xi32, #tpu.memory_space<vmem>>) target_semaphore(%run_scoped3A : memref<!tpu.dma_semaphore, #tpu.memory_space<semaphore_mem>>)
        %dma_wait3A_53 = tpu.memref_slice %arg4[%add3A_45] : memref<320000xi32, #tpu.memory_space<hbm>> -> memref<80xi32, #tpu.memory_space<hbm>>
        %dma_wait3A_54 = tpu.memref_slice %arg4[%add3A_45] : memref<320000xi32, #tpu.memory_space<hbm>> -> memref<80xi32, #tpu.memory_space<hbm>>
        tpu.wait_dma2 semaphore(%run_scoped3A : memref<!tpu.dma_semaphore, #tpu.memory_space<semaphore_mem>>) src(%dma_wait3A_54 : memref<80xi32, #tpu.memory_space<hbm>>) dst(%arg7 : memref<80xi32, #tpu.memory_space<vmem>>)
        tpu.yield
      }) : () -> ()
      %dma_start3A = arith.constant 0 : i32
      %dma_start3A_46 = arith.constant 0 : i32
      %dma_start3A_47 = tpu.memref_slice %arg2[%dma_start3A, %dma_start3A_46] : memref<10000x64xf32, #tpu.memory_space<hbm>> -> memref<10000x64xf32, #tpu.memory_space<hbm>>
      tpu.enqueue_indirect_dma source(%dma_start3A_47 : memref<10000x64xf32, #tpu.memory_space<hbm>>) target(%arg8 : memref<80x64xf32, #tpu.memory_space<vmem>>) offsets(%arg6 : memref<80xi32, #tpu.memory_space<vmem>>) semaphore(%arg11 : memref<!tpu.dma_semaphore, #tpu.memory_space<semaphore_mem>>)
      %dma_wait3A = arith.constant 0 : i32
      %dma_wait3A_48 = arith.constant 0 : i32
      %dma_wait3A_49 = tpu.memref_slice %arg2[%dma_wait3A, %dma_wait3A_48] : memref<10000x64xf32, #tpu.memory_space<hbm>> -> memref<10000x64xf32, #tpu.memory_space<hbm>>
      tpu.wait_indirect_dma semaphore(%arg11 : memref<!tpu.dma_semaphore, #tpu.memory_space<semaphore_mem>>) src(%dma_wait3A_49 : memref<10000x64xf32, #tpu.memory_space<hbm>>) dst(%arg8 : memref<80x64xf32, #tpu.memory_space<vmem>>)
      "tpu.region"() ({
        %run_scoped3A = tpu.sem_alloc : memref<!tpu.dma_semaphore, #tpu.memory_space<semaphore_mem>>
        %dma_start3A_51 = arith.constant 0 : i32
        %dma_start3A_52 = arith.constant 0 : i32
        %dma_start3A_53 = tpu.memref_slice %arg10[%dma_start3A_51, %dma_start3A_52] : memref<10000x64xf32, #tpu.memory_space<vmem_shared>> -> memref<10000x64xf32, #tpu.memory_space<vmem_shared>>
        tpu.enqueue_indirect_dma source(%arg8 : memref<80x64xf32, #tpu.memory_space<vmem>>) target(%dma_start3A_53 : memref<10000x64xf32, #tpu.memory_space<vmem_shared>>) offsets(%arg7 : memref<80xi32, #tpu.memory_space<vmem>>) semaphore(%run_scoped3A : memref<!tpu.dma_semaphore, #tpu.memory_space<semaphore_mem>>) {add = true}
        %dma_wait3A_54 = arith.constant 0 : i32
        %dma_wait3A_55 = arith.constant 0 : i32
        %dma_wait3A_56 = tpu.memref_slice %arg10[%dma_wait3A_54, %dma_wait3A_55] : memref<10000x64xf32, #tpu.memory_space<vmem_shared>> -> memref<10000x64xf32, #tpu.memory_space<vmem_shared>>
        tpu.wait_indirect_dma semaphore(%run_scoped3A : memref<!tpu.dma_semaphore, #tpu.memory_space<semaphore_mem>>) src(%arg8 : memref<80x64xf32, #tpu.memory_space<vmem>>) dst(%dma_wait3A_56 : memref<10000x64xf32, #tpu.memory_space<vmem_shared>>)
        tpu.yield
      }) : () -> ()
      %scan3A_50 = arith.constant 0 : i32
      scf.yield %scan3A_50 : i32
    }
    %scan3A_35 = arith.constant 125 : i32
    %barrier3A_36 = arith.constant 0 : index
    tpu.barrier barrier_id(%barrier3A_36)
    %mul3A_37 = arith.constant 625 : i32
    %mul3A_38 = arith.muli %arg1, %mul3A_37 : i32
    %mul3A_39 = arith.constant 625 : i32
    %mul3A_40 = arith.muli %arg1, %mul3A_39 : i32
    "tpu.region"() ({
      %run_scoped3A = tpu.sem_alloc : memref<!tpu.dma_semaphore, #tpu.memory_space<semaphore_mem>>
      %dma_start3A = arith.constant 0 : i32
      %dma_start3A_41 = tpu.memref_slice %arg5[%arg0, %mul3A_40, %dma_start3A] : memref<2x10000x64xf32, #tpu.memory_space<hbm>> -> memref<1x625x64xf32, #tpu.memory_space<hbm>>
      %dma_start3A_42 = tpu.memref_squeeze %dma_start3A_41 : memref<1x625x64xf32, #tpu.memory_space<hbm>> -> memref<625x64xf32, #tpu.memory_space<hbm>>
      %dma_start3A_43 = arith.constant 0 : i32
      %dma_start3A_44 = tpu.memref_slice %arg10[%mul3A_38, %dma_start3A_43] : memref<10000x64xf32, #tpu.memory_space<vmem_shared>> -> memref<625x64xf32, #tpu.memory_space<vmem_shared>>
      tpu.enqueue_dma source(%dma_start3A_44 : memref<625x64xf32, #tpu.memory_space<vmem_shared>>) target(%dma_start3A_42 : memref<625x64xf32, #tpu.memory_space<hbm>>) target_semaphore(%run_scoped3A : memref<!tpu.dma_semaphore, #tpu.memory_space<semaphore_mem>>)
      %dma_wait3A = arith.constant 0 : i32
      %dma_wait3A_45 = tpu.memref_slice %arg5[%arg0, %mul3A_40, %dma_wait3A] : memref<2x10000x64xf32, #tpu.memory_space<hbm>> -> memref<1x625x64xf32, #tpu.memory_space<hbm>>
      %dma_wait3A_46 = tpu.memref_squeeze %dma_wait3A_45 : memref<1x625x64xf32, #tpu.memory_space<hbm>> -> memref<625x64xf32, #tpu.memory_space<hbm>>
      %dma_wait3A_47 = arith.constant 0 : i32
      %dma_wait3A_48 = tpu.memref_slice %arg10[%mul3A_38, %dma_wait3A_47] : memref<10000x64xf32, #tpu.memory_space<vmem_shared>> -> memref<625x64xf32, #tpu.memory_space<vmem_shared>>
      tpu.wait_dma2 semaphore(%run_scoped3A : memref<!tpu.dma_semaphore, #tpu.memory_space<semaphore_mem>>) src(%dma_wait3A_48 : memref<625x64xf32, #tpu.memory_space<vmem_shared>>) dst(%dma_wait3A_46 : memref<625x64xf32, #tpu.memory_space<hbm>>)
      tpu.yield
    }) : () -> ()
    return
  }
}

#map = affine_map<(d0, d1) -> (0)>
#map1 = affine_map<(d0, d1) -> (0, 0, 0)>
module attributes {stable_mosaic.version = 14 : i64} {
  func.func @deg_kernel(%arg0: i32, %arg1: i32, %arg2: memref<320000xi32, #tpu.memory_space<hbm>>, %arg3: memref<2x10000x16xf32, #tpu.memory_space<hbm>>, %arg4: memref<80xi32, #tpu.memory_space<vmem>>, %arg5: memref<80x16xf32, #tpu.memory_space<vmem>>, %arg6: memref<125x16xf32, #tpu.memory_space<vmem>>, %arg7: memref<10000x16xf32, #tpu.memory_space<vmem_shared>>) attributes {dimension_semantics = [#tpu.dimension_semantics<core_parallel>, #tpu.dimension_semantics<subcore_parallel>], iteration_bounds = array<i64: 2, 16>, scalar_prefetch = 0 : i64, scratch_operands = 4 : i64, tpu.core_type = #tpu.core_type<sc_vector_subcore>, window_params = [{transform_indices = #map}, {transform_indices = #map1}]} {
    %mul3A = arith.constant 2 : i32
    %mul3A_0 = arith.muli %arg1, %mul3A : i32
    %add3A = arith.addi %mul3A_0, %arg0 : i32
    %scan3A = arith.constant 0 : i32
    %scan3A_1 = arith.constant 0 : i32
    %scan3A_2 = arith.constant 80 : i32
    %scan3A_3 = arith.addi %scan3A_1, %scan3A_2 : i32
    %scan3A_4 = arith.constant 1 : i32
    %scan3A_5 = scf.for %scan3A_48 = %scan3A_1 to %scan3A_3 step %scan3A_4 iter_args(%scan3A_49 = %scan3A) -> (i32)  : i32 {
      %broadcast_in_dim3A = arith.constant 1.000000e+00 : f32
      %broadcast_in_dim3A_50 = vector.broadcast %broadcast_in_dim3A : f32 to vector<16xf32>
      %swap3A = arith.index_cast %scan3A_48 : i32 to index
      %swap3A_51 = arith.constant 0 : index
      %swap3A_52 = tpu.vector_load %arg5[%swap3A, %swap3A_51] {strides = array<i32>} : memref<80x16xf32, #tpu.memory_space<vmem>>, vector<1x16xf32>,
      %swap3A_53 = vector.shape_cast %swap3A_52 : vector<1x16xf32> to vector<16xf32>
      %swap3A_54 = vector.shape_cast %broadcast_in_dim3A_50 : vector<16xf32> to vector<1x16xf32>
      tpu.vector_store %arg5[%swap3A, %swap3A_51], %swap3A_54 {strides = array<i32>} : memref<80x16xf32, #tpu.memory_space<vmem>>, vector<1x16xf32>,
      %scan3A_55 = arith.constant 0 : i32
      scf.yield %scan3A_55 : i32
    }
    %scan3A_6 = arith.constant 80 : i32
    %scan3A_7 = arith.constant 0 : i32
    %scan3A_8 = arith.constant 0 : i32
    %scan3A_9 = arith.constant 125 : i32
    %scan3A_10 = arith.addi %scan3A_8, %scan3A_9 : i32
    %scan3A_11 = arith.constant 1 : i32
    %scan3A_12 = scf.for %scan3A_48 = %scan3A_8 to %scan3A_10 step %scan3A_11 iter_args(%scan3A_49 = %scan3A_7) -> (i32)  : i32 {
      %broadcast_in_dim3A = arith.constant 0.000000e+00 : f32
      %broadcast_in_dim3A_50 = vector.broadcast %broadcast_in_dim3A : f32 to vector<16xf32>
      %swap3A = arith.index_cast %scan3A_48 : i32 to index
      %swap3A_51 = arith.constant 0 : index
      %swap3A_52 = tpu.vector_load %arg6[%swap3A, %swap3A_51] {strides = array<i32>} : memref<125x16xf32, #tpu.memory_space<vmem>>, vector<1x16xf32>,
      %swap3A_53 = vector.shape_cast %swap3A_52 : vector<1x16xf32> to vector<16xf32>
      %swap3A_54 = vector.shape_cast %broadcast_in_dim3A_50 : vector<16xf32> to vector<1x16xf32>
      tpu.vector_store %arg6[%swap3A, %swap3A_51], %swap3A_54 {strides = array<i32>} : memref<125x16xf32, #tpu.memory_space<vmem>>, vector<1x16xf32>,
      %scan3A_55 = arith.constant 0 : i32
      scf.yield %scan3A_55 : i32
    }
    %scan3A_13 = arith.constant 125 : i32
    %mul3A_14 = arith.constant 625 : i32
    %mul3A_15 = arith.muli %arg1, %mul3A_14 : i32
    %add3A_16 = arith.constant 0 : i32
    %add3A_17 = arith.addi %mul3A_15, %add3A_16 : i32
    "tpu.region"() ({
      %run_scoped3A = tpu.sem_alloc : memref<!tpu.dma_semaphore, #tpu.memory_space<semaphore_mem>>
      %dma_start3A = arith.constant 0 : i32
      %dma_start3A_48 = tpu.memref_slice %arg7[%add3A_17, %dma_start3A] : memref<10000x16xf32, #tpu.memory_space<vmem_shared>> -> memref<125x16xf32, #tpu.memory_space<vmem_shared>>
      %dma_start3A_49 = arith.constant 0 : i32
      %dma_start3A_50 = tpu.memref_slice %arg7[%add3A_17, %dma_start3A_49] : memref<10000x16xf32, #tpu.memory_space<vmem_shared>> -> memref<125x16xf32, #tpu.memory_space<vmem_shared>>
      tpu.enqueue_dma source(%arg6 : memref<125x16xf32, #tpu.memory_space<vmem>>) target(%dma_start3A_50 : memref<125x16xf32, #tpu.memory_space<vmem_shared>>) target_semaphore(%run_scoped3A : memref<!tpu.dma_semaphore, #tpu.memory_space<semaphore_mem>>)
      %dma_wait3A = arith.constant 0 : i32
      %dma_wait3A_51 = tpu.memref_slice %arg7[%add3A_17, %dma_wait3A] : memref<10000x16xf32, #tpu.memory_space<vmem_shared>> -> memref<125x16xf32, #tpu.memory_space<vmem_shared>>
      %dma_wait3A_52 = arith.constant 0 : i32
      %dma_wait3A_53 = tpu.memref_slice %arg7[%add3A_17, %dma_wait3A_52] : memref<10000x16xf32, #tpu.memory_space<vmem_shared>> -> memref<125x16xf32, #tpu.memory_space<vmem_shared>>
      tpu.wait_dma2 semaphore(%run_scoped3A : memref<!tpu.dma_semaphore, #tpu.memory_space<semaphore_mem>>) src(%arg6 : memref<125x16xf32, #tpu.memory_space<vmem>>) dst(%dma_wait3A_53 : memref<125x16xf32, #tpu.memory_space<vmem_shared>>)
      tpu.yield
    }) : () -> ()
    %mul3A_18 = arith.constant 625 : i32
    %mul3A_19 = arith.muli %arg1, %mul3A_18 : i32
    %add3A_20 = arith.constant 125 : i32
    %add3A_21 = arith.addi %mul3A_19, %add3A_20 : i32
    "tpu.region"() ({
      %run_scoped3A = tpu.sem_alloc : memref<!tpu.dma_semaphore, #tpu.memory_space<semaphore_mem>>
      %dma_start3A = arith.constant 0 : i32
      %dma_start3A_48 = tpu.memref_slice %arg7[%add3A_21, %dma_start3A] : memref<10000x16xf32, #tpu.memory_space<vmem_shared>> -> memref<125x16xf32, #tpu.memory_space<vmem_shared>>
      %dma_start3A_49 = arith.constant 0 : i32
      %dma_start3A_50 = tpu.memref_slice %arg7[%add3A_21, %dma_start3A_49] : memref<10000x16xf32, #tpu.memory_space<vmem_shared>> -> memref<125x16xf32, #tpu.memory_space<vmem_shared>>
      tpu.enqueue_dma source(%arg6 : memref<125x16xf32, #tpu.memory_space<vmem>>) target(%dma_start3A_50 : memref<125x16xf32, #tpu.memory_space<vmem_shared>>) target_semaphore(%run_scoped3A : memref<!tpu.dma_semaphore, #tpu.memory_space<semaphore_mem>>)
      %dma_wait3A = arith.constant 0 : i32
      %dma_wait3A_51 = tpu.memref_slice %arg7[%add3A_21, %dma_wait3A] : memref<10000x16xf32, #tpu.memory_space<vmem_shared>> -> memref<125x16xf32, #tpu.memory_space<vmem_shared>>
      %dma_wait3A_52 = arith.constant 0 : i32
      %dma_wait3A_53 = tpu.memref_slice %arg7[%add3A_21, %dma_wait3A_52] : memref<10000x16xf32, #tpu.memory_space<vmem_shared>> -> memref<125x16xf32, #tpu.memory_space<vmem_shared>>
      tpu.wait_dma2 semaphore(%run_scoped3A : memref<!tpu.dma_semaphore, #tpu.memory_space<semaphore_mem>>) src(%arg6 : memref<125x16xf32, #tpu.memory_space<vmem>>) dst(%dma_wait3A_53 : memref<125x16xf32, #tpu.memory_space<vmem_shared>>)
      tpu.yield
    }) : () -> ()
    %mul3A_22 = arith.constant 625 : i32
    %mul3A_23 = arith.muli %arg1, %mul3A_22 : i32
    %add3A_24 = arith.constant 250 : i32
    %add3A_25 = arith.addi %mul3A_23, %add3A_24 : i32
    "tpu.region"() ({
      %run_scoped3A = tpu.sem_alloc : memref<!tpu.dma_semaphore, #tpu.memory_space<semaphore_mem>>
      %dma_start3A = arith.constant 0 : i32
      %dma_start3A_48 = tpu.memref_slice %arg7[%add3A_25, %dma_start3A] : memref<10000x16xf32, #tpu.memory_space<vmem_shared>> -> memref<125x16xf32, #tpu.memory_space<vmem_shared>>
      %dma_start3A_49 = arith.constant 0 : i32
      %dma_start3A_50 = tpu.memref_slice %arg7[%add3A_25, %dma_start3A_49] : memref<10000x16xf32, #tpu.memory_space<vmem_shared>> -> memref<125x16xf32, #tpu.memory_space<vmem_shared>>
      tpu.enqueue_dma source(%arg6 : memref<125x16xf32, #tpu.memory_space<vmem>>) target(%dma_start3A_50 : memref<125x16xf32, #tpu.memory_space<vmem_shared>>) target_semaphore(%run_scoped3A : memref<!tpu.dma_semaphore, #tpu.memory_space<semaphore_mem>>)
      %dma_wait3A = arith.constant 0 : i32
      %dma_wait3A_51 = tpu.memref_slice %arg7[%add3A_25, %dma_wait3A] : memref<10000x16xf32, #tpu.memory_space<vmem_shared>> -> memref<125x16xf32, #tpu.memory_space<vmem_shared>>
      %dma_wait3A_52 = arith.constant 0 : i32
      %dma_wait3A_53 = tpu.memref_slice %arg7[%add3A_25, %dma_wait3A_52] : memref<10000x16xf32, #tpu.memory_space<vmem_shared>> -> memref<125x16xf32, #tpu.memory_space<vmem_shared>>
      tpu.wait_dma2 semaphore(%run_scoped3A : memref<!tpu.dma_semaphore, #tpu.memory_space<semaphore_mem>>) src(%arg6 : memref<125x16xf32, #tpu.memory_space<vmem>>) dst(%dma_wait3A_53 : memref<125x16xf32, #tpu.memory_space<vmem_shared>>)
      tpu.yield
    }) : () -> ()
    %mul3A_26 = arith.constant 625 : i32
    %mul3A_27 = arith.muli %arg1, %mul3A_26 : i32
    %add3A_28 = arith.constant 375 : i32
    %add3A_29 = arith.addi %mul3A_27, %add3A_28 : i32
    "tpu.region"() ({
      %run_scoped3A = tpu.sem_alloc : memref<!tpu.dma_semaphore, #tpu.memory_space<semaphore_mem>>
      %dma_start3A = arith.constant 0 : i32
      %dma_start3A_48 = tpu.memref_slice %arg7[%add3A_29, %dma_start3A] : memref<10000x16xf32, #tpu.memory_space<vmem_shared>> -> memref<125x16xf32, #tpu.memory_space<vmem_shared>>
      %dma_start3A_49 = arith.constant 0 : i32
      %dma_start3A_50 = tpu.memref_slice %arg7[%add3A_29, %dma_start3A_49] : memref<10000x16xf32, #tpu.memory_space<vmem_shared>> -> memref<125x16xf32, #tpu.memory_space<vmem_shared>>
      tpu.enqueue_dma source(%arg6 : memref<125x16xf32, #tpu.memory_space<vmem>>) target(%dma_start3A_50 : memref<125x16xf32, #tpu.memory_space<vmem_shared>>) target_semaphore(%run_scoped3A : memref<!tpu.dma_semaphore, #tpu.memory_space<semaphore_mem>>)
      %dma_wait3A = arith.constant 0 : i32
      %dma_wait3A_51 = tpu.memref_slice %arg7[%add3A_29, %dma_wait3A] : memref<10000x16xf32, #tpu.memory_space<vmem_shared>> -> memref<125x16xf32, #tpu.memory_space<vmem_shared>>
      %dma_wait3A_52 = arith.constant 0 : i32
      %dma_wait3A_53 = tpu.memref_slice %arg7[%add3A_29, %dma_wait3A_52] : memref<10000x16xf32, #tpu.memory_space<vmem_shared>> -> memref<125x16xf32, #tpu.memory_space<vmem_shared>>
      tpu.wait_dma2 semaphore(%run_scoped3A : memref<!tpu.dma_semaphore, #tpu.memory_space<semaphore_mem>>) src(%arg6 : memref<125x16xf32, #tpu.memory_space<vmem>>) dst(%dma_wait3A_53 : memref<125x16xf32, #tpu.memory_space<vmem_shared>>)
      tpu.yield
    }) : () -> ()
    %mul3A_30 = arith.constant 625 : i32
    %mul3A_31 = arith.muli %arg1, %mul3A_30 : i32
    %add3A_32 = arith.constant 500 : i32
    %add3A_33 = arith.addi %mul3A_31, %add3A_32 : i32
    "tpu.region"() ({
      %run_scoped3A = tpu.sem_alloc : memref<!tpu.dma_semaphore, #tpu.memory_space<semaphore_mem>>
      %dma_start3A = arith.constant 0 : i32
      %dma_start3A_48 = tpu.memref_slice %arg7[%add3A_33, %dma_start3A] : memref<10000x16xf32, #tpu.memory_space<vmem_shared>> -> memref<125x16xf32, #tpu.memory_space<vmem_shared>>
      %dma_start3A_49 = arith.constant 0 : i32
      %dma_start3A_50 = tpu.memref_slice %arg7[%add3A_33, %dma_start3A_49] : memref<10000x16xf32, #tpu.memory_space<vmem_shared>> -> memref<125x16xf32, #tpu.memory_space<vmem_shared>>
      tpu.enqueue_dma source(%arg6 : memref<125x16xf32, #tpu.memory_space<vmem>>) target(%dma_start3A_50 : memref<125x16xf32, #tpu.memory_space<vmem_shared>>) target_semaphore(%run_scoped3A : memref<!tpu.dma_semaphore, #tpu.memory_space<semaphore_mem>>)
      %dma_wait3A = arith.constant 0 : i32
      %dma_wait3A_51 = tpu.memref_slice %arg7[%add3A_33, %dma_wait3A] : memref<10000x16xf32, #tpu.memory_space<vmem_shared>> -> memref<125x16xf32, #tpu.memory_space<vmem_shared>>
      %dma_wait3A_52 = arith.constant 0 : i32
      %dma_wait3A_53 = tpu.memref_slice %arg7[%add3A_33, %dma_wait3A_52] : memref<10000x16xf32, #tpu.memory_space<vmem_shared>> -> memref<125x16xf32, #tpu.memory_space<vmem_shared>>
      tpu.wait_dma2 semaphore(%run_scoped3A : memref<!tpu.dma_semaphore, #tpu.memory_space<semaphore_mem>>) src(%arg6 : memref<125x16xf32, #tpu.memory_space<vmem>>) dst(%dma_wait3A_53 : memref<125x16xf32, #tpu.memory_space<vmem_shared>>)
      tpu.yield
    }) : () -> ()
    %barrier3A = arith.constant 0 : index
    tpu.barrier barrier_id(%barrier3A)
    %mul3A_34 = arith.constant 10000 : i32
    %mul3A_35 = arith.muli %add3A, %mul3A_34 : i32
    %scan3A_36 = arith.constant 0 : i32
    %scan3A_37 = arith.constant 0 : i32
    %scan3A_38 = arith.constant 125 : i32
    %scan3A_39 = arith.addi %scan3A_37, %scan3A_38 : i32
    %scan3A_40 = arith.constant 1 : i32
    %scan3A_41 = scf.for %scan3A_48 = %scan3A_37 to %scan3A_39 step %scan3A_40 iter_args(%scan3A_49 = %scan3A_36) -> (i32)  : i32 {
      %mul3A_50 = arith.constant 80 : i32
      %mul3A_51 = arith.muli %scan3A_48, %mul3A_50 : i32
      %add3A_52 = arith.addi %mul3A_35, %mul3A_51 : i32
      "tpu.region"() ({
        %run_scoped3A = tpu.sem_alloc : memref<!tpu.dma_semaphore, #tpu.memory_space<semaphore_mem>>
        %dma_start3A = tpu.memref_slice %arg2[%add3A_52] : memref<320000xi32, #tpu.memory_space<hbm>> -> memref<80xi32, #tpu.memory_space<hbm>>
        %dma_start3A_54 = tpu.memref_slice %arg2[%add3A_52] : memref<320000xi32, #tpu.memory_space<hbm>> -> memref<80xi32, #tpu.memory_space<hbm>>
        tpu.enqueue_dma source(%dma_start3A_54 : memref<80xi32, #tpu.memory_space<hbm>>) target(%arg4 : memref<80xi32, #tpu.memory_space<vmem>>) target_semaphore(%run_scoped3A : memref<!tpu.dma_semaphore, #tpu.memory_space<semaphore_mem>>)
        %dma_wait3A = tpu.memref_slice %arg2[%add3A_52] : memref<320000xi32, #tpu.memory_space<hbm>> -> memref<80xi32, #tpu.memory_space<hbm>>
        %dma_wait3A_55 = tpu.memref_slice %arg2[%add3A_52] : memref<320000xi32, #tpu.memory_space<hbm>> -> memref<80xi32, #tpu.memory_space<hbm>>
        tpu.wait_dma2 semaphore(%run_scoped3A : memref<!tpu.dma_semaphore, #tpu.memory_space<semaphore_mem>>) src(%dma_wait3A_55 : memref<80xi32, #tpu.memory_space<hbm>>) dst(%arg4 : memref<80xi32, #tpu.memory_space<vmem>>)
        tpu.yield
      }) : () -> ()
      "tpu.region"() ({
        %run_scoped3A = tpu.sem_alloc : memref<!tpu.dma_semaphore, #tpu.memory_space<semaphore_mem>>
        %dma_start3A = arith.constant 0 : i32
        %dma_start3A_54 = arith.constant 0 : i32
        %dma_start3A_55 = tpu.memref_slice %arg7[%dma_start3A, %dma_start3A_54] : memref<10000x16xf32, #tpu.memory_space<vmem_shared>> -> memref<10000x16xf32, #tpu.memory_space<vmem_shared>>
        tpu.enqueue_indirect_dma source(%arg5 : memref<80x16xf32, #tpu.memory_space<vmem>>) target(%dma_start3A_55 : memref<10000x16xf32, #tpu.memory_space<vmem_shared>>) offsets(%arg4 : memref<80xi32, #tpu.memory_space<vmem>>) semaphore(%run_scoped3A : memref<!tpu.dma_semaphore, #tpu.memory_space<semaphore_mem>>) {add = true}
        %dma_wait3A = arith.constant 0 : i32
        %dma_wait3A_56 = arith.constant 0 : i32
        %dma_wait3A_57 = tpu.memref_slice %arg7[%dma_wait3A, %dma_wait3A_56] : memref<10000x16xf32, #tpu.memory_space<vmem_shared>> -> memref<10000x16xf32, #tpu.memory_space<vmem_shared>>
        tpu.wait_indirect_dma semaphore(%run_scoped3A : memref<!tpu.dma_semaphore, #tpu.memory_space<semaphore_mem>>) src(%arg5 : memref<80x16xf32, #tpu.memory_space<vmem>>) dst(%dma_wait3A_57 : memref<10000x16xf32, #tpu.memory_space<vmem_shared>>)
        tpu.yield
      }) : () -> ()
      %scan3A_53 = arith.constant 0 : i32
      scf.yield %scan3A_53 : i32
    }
    %scan3A_42 = arith.constant 125 : i32
    %barrier3A_43 = arith.constant 0 : index
    tpu.barrier barrier_id(%barrier3A_43)
    %mul3A_44 = arith.constant 625 : i32
    %mul3A_45 = arith.muli %arg1, %mul3A_44 : i32
    %mul3A_46 = arith.constant 625 : i32
    %mul3A_47 = arith.muli %arg1, %mul3A_46 : i32
    "tpu.region"() ({
      %run_scoped3A = tpu.sem_alloc : memref<!tpu.dma_semaphore, #tpu.memory_space<semaphore_mem>>
      %dma_start3A = arith.constant 0 : i32
      %dma_start3A_48 = tpu.memref_slice %arg3[%arg0, %mul3A_47, %dma_start3A] : memref<2x10000x16xf32, #tpu.memory_space<hbm>> -> memref<1x625x16xf32, #tpu.memory_space<hbm>>
      %dma_start3A_49 = tpu.memref_squeeze %dma_start3A_48 : memref<1x625x16xf32, #tpu.memory_space<hbm>> -> memref<625x16xf32, #tpu.memory_space<hbm>>
      %dma_start3A_50 = arith.constant 0 : i32
      %dma_start3A_51 = tpu.memref_slice %arg7[%mul3A_45, %dma_start3A_50] : memref<10000x16xf32, #tpu.memory_space<vmem_shared>> -> memref<625x16xf32, #tpu.memory_space<vmem_shared>>
      tpu.enqueue_dma source(%dma_start3A_51 : memref<625x16xf32, #tpu.memory_space<vmem_shared>>) target(%dma_start3A_49 : memref<625x16xf32, #tpu.memory_space<hbm>>) target_semaphore(%run_scoped3A : memref<!tpu.dma_semaphore, #tpu.memory_space<semaphore_mem>>)
      %dma_wait3A = arith.constant 0 : i32
      %dma_wait3A_52 = tpu.memref_slice %arg3[%arg0, %mul3A_47, %dma_wait3A] : memref<2x10000x16xf32, #tpu.memory_space<hbm>> -> memref<1x625x16xf32, #tpu.memory_space<hbm>>
      %dma_wait3A_53 = tpu.memref_squeeze %dma_wait3A_52 : memref<1x625x16xf32, #tpu.memory_space<hbm>> -> memref<625x16xf32, #tpu.memory_space<hbm>>
      %dma_wait3A_54 = arith.constant 0 : i32
      %dma_wait3A_55 = tpu.memref_slice %arg7[%mul3A_45, %dma_wait3A_54] : memref<10000x16xf32, #tpu.memory_space<vmem_shared>> -> memref<625x16xf32, #tpu.memory_space<vmem_shared>>
      tpu.wait_dma2 semaphore(%run_scoped3A : memref<!tpu.dma_semaphore, #tpu.memory_space<semaphore_mem>>) src(%dma_wait3A_55 : memref<625x16xf32, #tpu.memory_space<vmem_shared>>) dst(%dma_wait3A_53 : memref<625x16xf32, #tpu.memory_space<hbm>>)
      tpu.yield
    }) : () -> ()
    return
  }
}

#map = affine_map<(d0, d1) -> (0, 0)>
#map1 = affine_map<(d0, d1) -> (0)>
#map2 = affine_map<(d0, d1) -> (0, 0, 0)>
module attributes {stable_mosaic.version = 14 : i64} {
  func.func @prop_kernel(%arg0: i32, %arg1: i32, %arg2: memref<10000x64xf32, #tpu.memory_space<hbm>>, %arg3: memref<320000xi32, #tpu.memory_space<hbm>>, %arg4: memref<320000xi32, #tpu.memory_space<hbm>>, %arg5: memref<2x10000x64xf32, #tpu.memory_space<hbm>>, %arg6: memref<80xi32, #tpu.memory_space<vmem>>, %arg7: memref<80xi32, #tpu.memory_space<vmem>>, %arg8: memref<80x64xf32, #tpu.memory_space<vmem>>, %arg9: memref<125x64xf32, #tpu.memory_space<vmem>>, %arg10: memref<10000x64xf32, #tpu.memory_space<vmem_shared>>, %arg11: memref<!tpu.dma_semaphore, #tpu.memory_space<semaphore_mem>>) attributes {dimension_semantics = [#tpu.dimension_semantics<core_parallel>, #tpu.dimension_semantics<subcore_parallel>], iteration_bounds = array<i64: 2, 16>, scalar_prefetch = 0 : i64, scratch_operands = 6 : i64, tpu.core_type = #tpu.core_type<sc_vector_subcore>, window_params = [{transform_indices = #map}, {transform_indices = #map1}, {transform_indices = #map1}, {transform_indices = #map2}]} {
    %mul3A = arith.constant 2 : i32
    %mul3A_0 = arith.muli %arg1, %mul3A : i32
    %add3A = arith.addi %mul3A_0, %arg0 : i32
    %scan3A = arith.constant 0 : i32
    %scan3A_1 = arith.constant 0 : i32
    %scan3A_2 = arith.constant 125 : i32
    %scan3A_3 = arith.addi %scan3A_1, %scan3A_2 : i32
    %scan3A_4 = arith.constant 1 : i32
    %scan3A_5 = scf.for %scan3A_41 = %scan3A_1 to %scan3A_3 step %scan3A_4 iter_args(%scan3A_42 = %scan3A) -> (i32)  : i32 {
      %broadcast_in_dim3A = arith.constant 0.000000e+00 : f32
      %broadcast_in_dim3A_43 = vector.broadcast %broadcast_in_dim3A : f32 to vector<16xf32>
      %swap3A = arith.index_cast %scan3A_41 : i32 to index
      %swap3A_44 = arith.constant 0 : index
      %swap3A_45 = tpu.vector_load %arg9[%swap3A, %swap3A_44] {strides = array<i32>} : memref<125x64xf32, #tpu.memory_space<vmem>>, vector<1x16xf32>,
      %swap3A_46 = vector.shape_cast %swap3A_45 : vector<1x16xf32> to vector<16xf32>
      %swap3A_47 = vector.shape_cast %broadcast_in_dim3A_43 : vector<16xf32> to vector<1x16xf32>
      tpu.vector_store %arg9[%swap3A, %swap3A_44], %swap3A_47 {strides = array<i32>} : memref<125x64xf32, #tpu.memory_space<vmem>>, vector<1x16xf32>,
      %broadcast_in_dim3A_48 = arith.constant 0.000000e+00 : f32
      %broadcast_in_dim3A_49 = vector.broadcast %broadcast_in_dim3A_48 : f32 to vector<16xf32>
      %swap3A_50 = arith.index_cast %scan3A_41 : i32 to index
      %swap3A_51 = arith.constant 16 : index
      %swap3A_52 = tpu.vector_load %arg9[%swap3A_50, %swap3A_51] {strides = array<i32>} : memref<125x64xf32, #tpu.memory_space<vmem>>, vector<1x16xf32>,
      %swap3A_53 = vector.shape_cast %swap3A_52 : vector<1x16xf32> to vector<16xf32>
      %swap3A_54 = vector.shape_cast %broadcast_in_dim3A_49 : vector<16xf32> to vector<1x16xf32>
      tpu.vector_store %arg9[%swap3A_50, %swap3A_51], %swap3A_54 {strides = array<i32>} : memref<125x64xf32, #tpu.memory_space<vmem>>, vector<1x16xf32>,
      %broadcast_in_dim3A_55 = arith.constant 0.000000e+00 : f32
      %broadcast_in_dim3A_56 = vector.broadcast %broadcast_in_dim3A_55 : f32 to vector<16xf32>
      %swap3A_57 = arith.index_cast %scan3A_41 : i32 to index
      %swap3A_58 = arith.constant 32 : index
      %swap3A_59 = tpu.vector_load %arg9[%swap3A_57, %swap3A_58] {strides = array<i32>} : memref<125x64xf32, #tpu.memory_space<vmem>>, vector<1x16xf32>,
      %swap3A_60 = vector.shape_cast %swap3A_59 : vector<1x16xf32> to vector<16xf32>
      %swap3A_61 = vector.shape_cast %broadcast_in_dim3A_56 : vector<16xf32> to vector<1x16xf32>
      tpu.vector_store %arg9[%swap3A_57, %swap3A_58], %swap3A_61 {strides = array<i32>} : memref<125x64xf32, #tpu.memory_space<vmem>>, vector<1x16xf32>,
      %broadcast_in_dim3A_62 = arith.constant 0.000000e+00 : f32
      %broadcast_in_dim3A_63 = vector.broadcast %broadcast_in_dim3A_62 : f32 to vector<16xf32>
      %swap3A_64 = arith.index_cast %scan3A_41 : i32 to index
      %swap3A_65 = arith.constant 48 : index
      %swap3A_66 = tpu.vector_load %arg9[%swap3A_64, %swap3A_65] {strides = array<i32>} : memref<125x64xf32, #tpu.memory_space<vmem>>, vector<1x16xf32>,
      %swap3A_67 = vector.shape_cast %swap3A_66 : vector<1x16xf32> to vector<16xf32>
      %swap3A_68 = vector.shape_cast %broadcast_in_dim3A_63 : vector<16xf32> to vector<1x16xf32>
      tpu.vector_store %arg9[%swap3A_64, %swap3A_65], %swap3A_68 {strides = array<i32>} : memref<125x64xf32, #tpu.memory_space<vmem>>, vector<1x16xf32>,
      %scan3A_69 = arith.constant 0 : i32
      scf.yield %scan3A_69 : i32
    }
    %scan3A_6 = arith.constant 125 : i32
    %mul3A_7 = arith.constant 625 : i32
    %mul3A_8 = arith.muli %arg1, %mul3A_7 : i32
    %add3A_9 = arith.constant 0 : i32
    %add3A_10 = arith.addi %mul3A_8, %add3A_9 : i32
    "tpu.region"() ({
      %run_scoped3A = tpu.sem_alloc : memref<!tpu.dma_semaphore, #tpu.memory_space<semaphore_mem>>
      %dma_start3A = arith.constant 0 : i32
      %dma_start3A_41 = tpu.memref_slice %arg10[%add3A_10, %dma_start3A] : memref<10000x64xf32, #tpu.memory_space<vmem_shared>> -> memref<125x64xf32, #tpu.memory_space<vmem_shared>>
      %dma_start3A_42 = arith.constant 0 : i32
      %dma_start3A_43 = tpu.memref_slice %arg10[%add3A_10, %dma_start3A_42] : memref<10000x64xf32, #tpu.memory_space<vmem_shared>> -> memref<125x64xf32, #tpu.memory_space<vmem_shared>>
      tpu.enqueue_dma source(%arg9 : memref<125x64xf32, #tpu.memory_space<vmem>>) target(%dma_start3A_43 : memref<125x64xf32, #tpu.memory_space<vmem_shared>>) target_semaphore(%run_scoped3A : memref<!tpu.dma_semaphore, #tpu.memory_space<semaphore_mem>>)
      %dma_wait3A = arith.constant 0 : i32
      %dma_wait3A_44 = tpu.memref_slice %arg10[%add3A_10, %dma_wait3A] : memref<10000x64xf32, #tpu.memory_space<vmem_shared>> -> memref<125x64xf32, #tpu.memory_space<vmem_shared>>
      %dma_wait3A_45 = arith.constant 0 : i32
      %dma_wait3A_46 = tpu.memref_slice %arg10[%add3A_10, %dma_wait3A_45] : memref<10000x64xf32, #tpu.memory_space<vmem_shared>> -> memref<125x64xf32, #tpu.memory_space<vmem_shared>>
      tpu.wait_dma2 semaphore(%run_scoped3A : memref<!tpu.dma_semaphore, #tpu.memory_space<semaphore_mem>>) src(%arg9 : memref<125x64xf32, #tpu.memory_space<vmem>>) dst(%dma_wait3A_46 : memref<125x64xf32, #tpu.memory_space<vmem_shared>>)
      tpu.yield
    }) : () -> ()
    %mul3A_11 = arith.constant 625 : i32
    %mul3A_12 = arith.muli %arg1, %mul3A_11 : i32
    %add3A_13 = arith.constant 125 : i32
    %add3A_14 = arith.addi %mul3A_12, %add3A_13 : i32
    "tpu.region"() ({
      %run_scoped3A = tpu.sem_alloc : memref<!tpu.dma_semaphore, #tpu.memory_space<semaphore_mem>>
      %dma_start3A = arith.constant 0 : i32
      %dma_start3A_41 = tpu.memref_slice %arg10[%add3A_14, %dma_start3A] : memref<10000x64xf32, #tpu.memory_space<vmem_shared>> -> memref<125x64xf32, #tpu.memory_space<vmem_shared>>
      %dma_start3A_42 = arith.constant 0 : i32
      %dma_start3A_43 = tpu.memref_slice %arg10[%add3A_14, %dma_start3A_42] : memref<10000x64xf32, #tpu.memory_space<vmem_shared>> -> memref<125x64xf32, #tpu.memory_space<vmem_shared>>
      tpu.enqueue_dma source(%arg9 : memref<125x64xf32, #tpu.memory_space<vmem>>) target(%dma_start3A_43 : memref<125x64xf32, #tpu.memory_space<vmem_shared>>) target_semaphore(%run_scoped3A : memref<!tpu.dma_semaphore, #tpu.memory_space<semaphore_mem>>)
      %dma_wait3A = arith.constant 0 : i32
      %dma_wait3A_44 = tpu.memref_slice %arg10[%add3A_14, %dma_wait3A] : memref<10000x64xf32, #tpu.memory_space<vmem_shared>> -> memref<125x64xf32, #tpu.memory_space<vmem_shared>>
      %dma_wait3A_45 = arith.constant 0 : i32
      %dma_wait3A_46 = tpu.memref_slice %arg10[%add3A_14, %dma_wait3A_45] : memref<10000x64xf32, #tpu.memory_space<vmem_shared>> -> memref<125x64xf32, #tpu.memory_space<vmem_shared>>
      tpu.wait_dma2 semaphore(%run_scoped3A : memref<!tpu.dma_semaphore, #tpu.memory_space<semaphore_mem>>) src(%arg9 : memref<125x64xf32, #tpu.memory_space<vmem>>) dst(%dma_wait3A_46 : memref<125x64xf32, #tpu.memory_space<vmem_shared>>)
      tpu.yield
    }) : () -> ()
    %mul3A_15 = arith.constant 625 : i32
    %mul3A_16 = arith.muli %arg1, %mul3A_15 : i32
    %add3A_17 = arith.constant 250 : i32
    %add3A_18 = arith.addi %mul3A_16, %add3A_17 : i32
    "tpu.region"() ({
      %run_scoped3A = tpu.sem_alloc : memref<!tpu.dma_semaphore, #tpu.memory_space<semaphore_mem>>
      %dma_start3A = arith.constant 0 : i32
      %dma_start3A_41 = tpu.memref_slice %arg10[%add3A_18, %dma_start3A] : memref<10000x64xf32, #tpu.memory_space<vmem_shared>> -> memref<125x64xf32, #tpu.memory_space<vmem_shared>>
      %dma_start3A_42 = arith.constant 0 : i32
      %dma_start3A_43 = tpu.memref_slice %arg10[%add3A_18, %dma_start3A_42] : memref<10000x64xf32, #tpu.memory_space<vmem_shared>> -> memref<125x64xf32, #tpu.memory_space<vmem_shared>>
      tpu.enqueue_dma source(%arg9 : memref<125x64xf32, #tpu.memory_space<vmem>>) target(%dma_start3A_43 : memref<125x64xf32, #tpu.memory_space<vmem_shared>>) target_semaphore(%run_scoped3A : memref<!tpu.dma_semaphore, #tpu.memory_space<semaphore_mem>>)
      %dma_wait3A = arith.constant 0 : i32
      %dma_wait3A_44 = tpu.memref_slice %arg10[%add3A_18, %dma_wait3A] : memref<10000x64xf32, #tpu.memory_space<vmem_shared>> -> memref<125x64xf32, #tpu.memory_space<vmem_shared>>
      %dma_wait3A_45 = arith.constant 0 : i32
      %dma_wait3A_46 = tpu.memref_slice %arg10[%add3A_18, %dma_wait3A_45] : memref<10000x64xf32, #tpu.memory_space<vmem_shared>> -> memref<125x64xf32, #tpu.memory_space<vmem_shared>>
      tpu.wait_dma2 semaphore(%run_scoped3A : memref<!tpu.dma_semaphore, #tpu.memory_space<semaphore_mem>>) src(%arg9 : memref<125x64xf32, #tpu.memory_space<vmem>>) dst(%dma_wait3A_46 : memref<125x64xf32, #tpu.memory_space<vmem_shared>>)
      tpu.yield
    }) : () -> ()
    %mul3A_19 = arith.constant 625 : i32
    %mul3A_20 = arith.muli %arg1, %mul3A_19 : i32
    %add3A_21 = arith.constant 375 : i32
    %add3A_22 = arith.addi %mul3A_20, %add3A_21 : i32
    "tpu.region"() ({
      %run_scoped3A = tpu.sem_alloc : memref<!tpu.dma_semaphore, #tpu.memory_space<semaphore_mem>>
      %dma_start3A = arith.constant 0 : i32
      %dma_start3A_41 = tpu.memref_slice %arg10[%add3A_22, %dma_start3A] : memref<10000x64xf32, #tpu.memory_space<vmem_shared>> -> memref<125x64xf32, #tpu.memory_space<vmem_shared>>
      %dma_start3A_42 = arith.constant 0 : i32
      %dma_start3A_43 = tpu.memref_slice %arg10[%add3A_22, %dma_start3A_42] : memref<10000x64xf32, #tpu.memory_space<vmem_shared>> -> memref<125x64xf32, #tpu.memory_space<vmem_shared>>
      tpu.enqueue_dma source(%arg9 : memref<125x64xf32, #tpu.memory_space<vmem>>) target(%dma_start3A_43 : memref<125x64xf32, #tpu.memory_space<vmem_shared>>) target_semaphore(%run_scoped3A : memref<!tpu.dma_semaphore, #tpu.memory_space<semaphore_mem>>)
      %dma_wait3A = arith.constant 0 : i32
      %dma_wait3A_44 = tpu.memref_slice %arg10[%add3A_22, %dma_wait3A] : memref<10000x64xf32, #tpu.memory_space<vmem_shared>> -> memref<125x64xf32, #tpu.memory_space<vmem_shared>>
      %dma_wait3A_45 = arith.constant 0 : i32
      %dma_wait3A_46 = tpu.memref_slice %arg10[%add3A_22, %dma_wait3A_45] : memref<10000x64xf32, #tpu.memory_space<vmem_shared>> -> memref<125x64xf32, #tpu.memory_space<vmem_shared>>
      tpu.wait_dma2 semaphore(%run_scoped3A : memref<!tpu.dma_semaphore, #tpu.memory_space<semaphore_mem>>) src(%arg9 : memref<125x64xf32, #tpu.memory_space<vmem>>) dst(%dma_wait3A_46 : memref<125x64xf32, #tpu.memory_space<vmem_shared>>)
      tpu.yield
    }) : () -> ()
    %mul3A_23 = arith.constant 625 : i32
    %mul3A_24 = arith.muli %arg1, %mul3A_23 : i32
    %add3A_25 = arith.constant 500 : i32
    %add3A_26 = arith.addi %mul3A_24, %add3A_25 : i32
    "tpu.region"() ({
      %run_scoped3A = tpu.sem_alloc : memref<!tpu.dma_semaphore, #tpu.memory_space<semaphore_mem>>
      %dma_start3A = arith.constant 0 : i32
      %dma_start3A_41 = tpu.memref_slice %arg10[%add3A_26, %dma_start3A] : memref<10000x64xf32, #tpu.memory_space<vmem_shared>> -> memref<125x64xf32, #tpu.memory_space<vmem_shared>>
      %dma_start3A_42 = arith.constant 0 : i32
      %dma_start3A_43 = tpu.memref_slice %arg10[%add3A_26, %dma_start3A_42] : memref<10000x64xf32, #tpu.memory_space<vmem_shared>> -> memref<125x64xf32, #tpu.memory_space<vmem_shared>>
      tpu.enqueue_dma source(%arg9 : memref<125x64xf32, #tpu.memory_space<vmem>>) target(%dma_start3A_43 : memref<125x64xf32, #tpu.memory_space<vmem_shared>>) target_semaphore(%run_scoped3A : memref<!tpu.dma_semaphore, #tpu.memory_space<semaphore_mem>>)
      %dma_wait3A = arith.constant 0 : i32
      %dma_wait3A_44 = tpu.memref_slice %arg10[%add3A_26, %dma_wait3A] : memref<10000x64xf32, #tpu.memory_space<vmem_shared>> -> memref<125x64xf32, #tpu.memory_space<vmem_shared>>
      %dma_wait3A_45 = arith.constant 0 : i32
      %dma_wait3A_46 = tpu.memref_slice %arg10[%add3A_26, %dma_wait3A_45] : memref<10000x64xf32, #tpu.memory_space<vmem_shared>> -> memref<125x64xf32, #tpu.memory_space<vmem_shared>>
      tpu.wait_dma2 semaphore(%run_scoped3A : memref<!tpu.dma_semaphore, #tpu.memory_space<semaphore_mem>>) src(%arg9 : memref<125x64xf32, #tpu.memory_space<vmem>>) dst(%dma_wait3A_46 : memref<125x64xf32, #tpu.memory_space<vmem_shared>>)
      tpu.yield
    }) : () -> ()
    %barrier3A = arith.constant 0 : index
    tpu.barrier barrier_id(%barrier3A)
    %mul3A_27 = arith.constant 10000 : i32
    %mul3A_28 = arith.muli %add3A, %mul3A_27 : i32
    %scan3A_29 = arith.constant 0 : i32
    %scan3A_30 = arith.constant 0 : i32
    %scan3A_31 = arith.constant 125 : i32
    %scan3A_32 = arith.addi %scan3A_30, %scan3A_31 : i32
    %scan3A_33 = arith.constant 1 : i32
    %scan3A_34 = scf.for %scan3A_41 = %scan3A_30 to %scan3A_32 step %scan3A_33 iter_args(%scan3A_42 = %scan3A_29) -> (i32)  : i32 {
      %mul3A_43 = arith.constant 80 : i32
      %mul3A_44 = arith.muli %scan3A_41, %mul3A_43 : i32
      %add3A_45 = arith.addi %mul3A_28, %mul3A_44 : i32
      "tpu.region"() ({
        %run_scoped3A = tpu.sem_alloc : memref<!tpu.dma_semaphore, #tpu.memory_space<semaphore_mem>>
        %dma_start3A_51 = tpu.memref_slice %arg3[%add3A_45] : memref<320000xi32, #tpu.memory_space<hbm>> -> memref<80xi32, #tpu.memory_space<hbm>>
        %dma_start3A_52 = tpu.memref_slice %arg3[%add3A_45] : memref<320000xi32, #tpu.memory_space<hbm>> -> memref<80xi32, #tpu.memory_space<hbm>>
        tpu.enqueue_dma source(%dma_start3A_52 : memref<80xi32, #tpu.memory_space<hbm>>) target(%arg6 : memref<80xi32, #tpu.memory_space<vmem>>) target_semaphore(%run_scoped3A : memref<!tpu.dma_semaphore, #tpu.memory_space<semaphore_mem>>)
        %dma_wait3A_53 = tpu.memref_slice %arg3[%add3A_45] : memref<320000xi32, #tpu.memory_space<hbm>> -> memref<80xi32, #tpu.memory_space<hbm>>
        %dma_wait3A_54 = tpu.memref_slice %arg3[%add3A_45] : memref<320000xi32, #tpu.memory_space<hbm>> -> memref<80xi32, #tpu.memory_space<hbm>>
        tpu.wait_dma2 semaphore(%run_scoped3A : memref<!tpu.dma_semaphore, #tpu.memory_space<semaphore_mem>>) src(%dma_wait3A_54 : memref<80xi32, #tpu.memory_space<hbm>>) dst(%arg6 : memref<80xi32, #tpu.memory_space<vmem>>)
        tpu.yield
      }) : () -> ()
      "tpu.region"() ({
        %run_scoped3A = tpu.sem_alloc : memref<!tpu.dma_semaphore, #tpu.memory_space<semaphore_mem>>
        %dma_start3A_51 = tpu.memref_slice %arg4[%add3A_45] : memref<320000xi32, #tpu.memory_space<hbm>> -> memref<80xi32, #tpu.memory_space<hbm>>
        %dma_start3A_52 = tpu.memref_slice %arg4[%add3A_45] : memref<320000xi32, #tpu.memory_space<hbm>> -> memref<80xi32, #tpu.memory_space<hbm>>
        tpu.enqueue_dma source(%dma_start3A_52 : memref<80xi32, #tpu.memory_space<hbm>>) target(%arg7 : memref<80xi32, #tpu.memory_space<vmem>>) target_semaphore(%run_scoped3A : memref<!tpu.dma_semaphore, #tpu.memory_space<semaphore_mem>>)
        %dma_wait3A_53 = tpu.memref_slice %arg4[%add3A_45] : memref<320000xi32, #tpu.memory_space<hbm>> -> memref<80xi32, #tpu.memory_space<hbm>>
        %dma_wait3A_54 = tpu.memref_slice %arg4[%add3A_45] : memref<320000xi32, #tpu.memory_space<hbm>> -> memref<80xi32, #tpu.memory_space<hbm>>
        tpu.wait_dma2 semaphore(%run_scoped3A : memref<!tpu.dma_semaphore, #tpu.memory_space<semaphore_mem>>) src(%dma_wait3A_54 : memref<80xi32, #tpu.memory_space<hbm>>) dst(%arg7 : memref<80xi32, #tpu.memory_space<vmem>>)
        tpu.yield
      }) : () -> ()
      %dma_start3A = arith.constant 0 : i32
      %dma_start3A_46 = arith.constant 0 : i32
      %dma_start3A_47 = tpu.memref_slice %arg2[%dma_start3A, %dma_start3A_46] : memref<10000x64xf32, #tpu.memory_space<hbm>> -> memref<10000x64xf32, #tpu.memory_space<hbm>>
      tpu.enqueue_indirect_dma source(%dma_start3A_47 : memref<10000x64xf32, #tpu.memory_space<hbm>>) target(%arg8 : memref<80x64xf32, #tpu.memory_space<vmem>>) offsets(%arg6 : memref<80xi32, #tpu.memory_space<vmem>>) semaphore(%arg11 : memref<!tpu.dma_semaphore, #tpu.memory_space<semaphore_mem>>)
      %dma_wait3A = arith.constant 0 : i32
      %dma_wait3A_48 = arith.constant 0 : i32
      %dma_wait3A_49 = tpu.memref_slice %arg2[%dma_wait3A, %dma_wait3A_48] : memref<10000x64xf32, #tpu.memory_space<hbm>> -> memref<10000x64xf32, #tpu.memory_space<hbm>>
      tpu.wait_indirect_dma semaphore(%arg11 : memref<!tpu.dma_semaphore, #tpu.memory_space<semaphore_mem>>) src(%dma_wait3A_49 : memref<10000x64xf32, #tpu.memory_space<hbm>>) dst(%arg8 : memref<80x64xf32, #tpu.memory_space<vmem>>)
      "tpu.region"() ({
        %run_scoped3A = tpu.sem_alloc : memref<!tpu.dma_semaphore, #tpu.memory_space<semaphore_mem>>
        %dma_start3A_51 = arith.constant 0 : i32
        %dma_start3A_52 = arith.constant 0 : i32
        %dma_start3A_53 = tpu.memref_slice %arg10[%dma_start3A_51, %dma_start3A_52] : memref<10000x64xf32, #tpu.memory_space<vmem_shared>> -> memref<10000x64xf32, #tpu.memory_space<vmem_shared>>
        tpu.enqueue_indirect_dma source(%arg8 : memref<80x64xf32, #tpu.memory_space<vmem>>) target(%dma_start3A_53 : memref<10000x64xf32, #tpu.memory_space<vmem_shared>>) offsets(%arg7 : memref<80xi32, #tpu.memory_space<vmem>>) semaphore(%run_scoped3A : memref<!tpu.dma_semaphore, #tpu.memory_space<semaphore_mem>>) {add = true}
        %dma_wait3A_54 = arith.constant 0 : i32
        %dma_wait3A_55 = arith.constant 0 : i32
        %dma_wait3A_56 = tpu.memref_slice %arg10[%dma_wait3A_54, %dma_wait3A_55] : memref<10000x64xf32, #tpu.memory_space<vmem_shared>> -> memref<10000x64xf32, #tpu.memory_space<vmem_shared>>
        tpu.wait_indirect_dma semaphore(%run_scoped3A : memref<!tpu.dma_semaphore, #tpu.memory_space<semaphore_mem>>) src(%arg8 : memref<80x64xf32, #tpu.memory_space<vmem>>) dst(%dma_wait3A_56 : memref<10000x64xf32, #tpu.memory_space<vmem_shared>>)
        tpu.yield
      }) : () -> ()
      %scan3A_50 = arith.constant 0 : i32
      scf.yield %scan3A_50 : i32
    }
    %scan3A_35 = arith.constant 125 : i32
    %barrier3A_36 = arith.constant 0 : index
    tpu.barrier barrier_id(%barrier3A_36)
    %mul3A_37 = arith.constant 625 : i32
    %mul3A_38 = arith.muli %arg1, %mul3A_37 : i32
    %mul3A_39 = arith.constant 625 : i32
    %mul3A_40 = arith.muli %arg1, %mul3A_39 : i32
    "tpu.region"() ({
      %run_scoped3A = tpu.sem_alloc : memref<!tpu.dma_semaphore, #tpu.memory_space<semaphore_mem>>
      %dma_start3A = arith.constant 0 : i32
      %dma_start3A_41 = tpu.memref_slice %arg5[%arg0, %mul3A_40, %dma_start3A] : memref<2x10000x64xf32, #tpu.memory_space<hbm>> -> memref<1x625x64xf32, #tpu.memory_space<hbm>>
      %dma_start3A_42 = tpu.memref_squeeze %dma_start3A_41 : memref<1x625x64xf32, #tpu.memory_space<hbm>> -> memref<625x64xf32, #tpu.memory_space<hbm>>
      %dma_start3A_43 = arith.constant 0 : i32
      %dma_start3A_44 = tpu.memref_slice %arg10[%mul3A_38, %dma_start3A_43] : memref<10000x64xf32, #tpu.memory_space<vmem_shared>> -> memref<625x64xf32, #tpu.memory_space<vmem_shared>>
      tpu.enqueue_dma source(%dma_start3A_44 : memref<625x64xf32, #tpu.memory_space<vmem_shared>>) target(%dma_start3A_42 : memref<625x64xf32, #tpu.memory_space<hbm>>) target_semaphore(%run_scoped3A : memref<!tpu.dma_semaphore, #tpu.memory_space<semaphore_mem>>)
      %dma_wait3A = arith.constant 0 : i32
      %dma_wait3A_45 = tpu.memref_slice %arg5[%arg0, %mul3A_40, %dma_wait3A] : memref<2x10000x64xf32, #tpu.memory_space<hbm>> -> memref<1x625x64xf32, #tpu.memory_space<hbm>>
      %dma_wait3A_46 = tpu.memref_squeeze %dma_wait3A_45 : memref<1x625x64xf32, #tpu.memory_space<hbm>> -> memref<625x64xf32, #tpu.memory_space<hbm>>
      %dma_wait3A_47 = arith.constant 0 : i32
      %dma_wait3A_48 = tpu.memref_slice %arg10[%mul3A_38, %dma_wait3A_47] : memref<10000x64xf32, #tpu.memory_space<vmem_shared>> -> memref<625x64xf32, #tpu.memory_space<vmem_shared>>
      tpu.wait_dma2 semaphore(%run_scoped3A : memref<!tpu.dma_semaphore, #tpu.memory_space<semaphore_mem>>) src(%dma_wait3A_48 : memref<625x64xf32, #tpu.memory_space<vmem_shared>>) dst(%dma_wait3A_46 : memref<625x64xf32, #tpu.memory_space<hbm>>)
      tpu.yield
    }) : () -> ()
    return
  }
}

#map = affine_map<(d0, d1) -> (0, 0)>
#map1 = affine_map<(d0, d1) -> (0)>
#map2 = affine_map<(d0, d1) -> (0, 0, 0)>
module attributes {stable_mosaic.version = 14 : i64} {
  func.func @prop_kernel(%arg0: i32, %arg1: i32, %arg2: memref<10000x64xf32, #tpu.memory_space<hbm>>, %arg3: memref<320000xi32, #tpu.memory_space<hbm>>, %arg4: memref<320000xi32, #tpu.memory_space<hbm>>, %arg5: memref<2x10000x64xf32, #tpu.memory_space<hbm>>, %arg6: memref<80xi32, #tpu.memory_space<vmem>>, %arg7: memref<80xi32, #tpu.memory_space<vmem>>, %arg8: memref<80x64xf32, #tpu.memory_space<vmem>>, %arg9: memref<125x64xf32, #tpu.memory_space<vmem>>, %arg10: memref<10000x64xf32, #tpu.memory_space<vmem_shared>>, %arg11: memref<!tpu.dma_semaphore, #tpu.memory_space<semaphore_mem>>) attributes {dimension_semantics = [#tpu.dimension_semantics<core_parallel>, #tpu.dimension_semantics<subcore_parallel>], iteration_bounds = array<i64: 2, 16>, scalar_prefetch = 0 : i64, scratch_operands = 6 : i64, tpu.core_type = #tpu.core_type<sc_vector_subcore>, window_params = [{transform_indices = #map}, {transform_indices = #map1}, {transform_indices = #map1}, {transform_indices = #map2}]} {
    %mul3A = arith.constant 2 : i32
    %mul3A_0 = arith.muli %arg1, %mul3A : i32
    %add3A = arith.addi %mul3A_0, %arg0 : i32
    %scan3A = arith.constant 0 : i32
    %scan3A_1 = arith.constant 0 : i32
    %scan3A_2 = arith.constant 125 : i32
    %scan3A_3 = arith.addi %scan3A_1, %scan3A_2 : i32
    %scan3A_4 = arith.constant 1 : i32
    %scan3A_5 = scf.for %scan3A_41 = %scan3A_1 to %scan3A_3 step %scan3A_4 iter_args(%scan3A_42 = %scan3A) -> (i32)  : i32 {
      %broadcast_in_dim3A = arith.constant 0.000000e+00 : f32
      %broadcast_in_dim3A_43 = vector.broadcast %broadcast_in_dim3A : f32 to vector<16xf32>
      %swap3A = arith.index_cast %scan3A_41 : i32 to index
      %swap3A_44 = arith.constant 0 : index
      %swap3A_45 = tpu.vector_load %arg9[%swap3A, %swap3A_44] {strides = array<i32>} : memref<125x64xf32, #tpu.memory_space<vmem>>, vector<1x16xf32>,
      %swap3A_46 = vector.shape_cast %swap3A_45 : vector<1x16xf32> to vector<16xf32>
      %swap3A_47 = vector.shape_cast %broadcast_in_dim3A_43 : vector<16xf32> to vector<1x16xf32>
      tpu.vector_store %arg9[%swap3A, %swap3A_44], %swap3A_47 {strides = array<i32>} : memref<125x64xf32, #tpu.memory_space<vmem>>, vector<1x16xf32>,
      %broadcast_in_dim3A_48 = arith.constant 0.000000e+00 : f32
      %broadcast_in_dim3A_49 = vector.broadcast %broadcast_in_dim3A_48 : f32 to vector<16xf32>
      %swap3A_50 = arith.index_cast %scan3A_41 : i32 to index
      %swap3A_51 = arith.constant 16 : index
      %swap3A_52 = tpu.vector_load %arg9[%swap3A_50, %swap3A_51] {strides = array<i32>} : memref<125x64xf32, #tpu.memory_space<vmem>>, vector<1x16xf32>,
      %swap3A_53 = vector.shape_cast %swap3A_52 : vector<1x16xf32> to vector<16xf32>
      %swap3A_54 = vector.shape_cast %broadcast_in_dim3A_49 : vector<16xf32> to vector<1x16xf32>
      tpu.vector_store %arg9[%swap3A_50, %swap3A_51], %swap3A_54 {strides = array<i32>} : memref<125x64xf32, #tpu.memory_space<vmem>>, vector<1x16xf32>,
      %broadcast_in_dim3A_55 = arith.constant 0.000000e+00 : f32
      %broadcast_in_dim3A_56 = vector.broadcast %broadcast_in_dim3A_55 : f32 to vector<16xf32>
      %swap3A_57 = arith.index_cast %scan3A_41 : i32 to index
      %swap3A_58 = arith.constant 32 : index
      %swap3A_59 = tpu.vector_load %arg9[%swap3A_57, %swap3A_58] {strides = array<i32>} : memref<125x64xf32, #tpu.memory_space<vmem>>, vector<1x16xf32>,
      %swap3A_60 = vector.shape_cast %swap3A_59 : vector<1x16xf32> to vector<16xf32>
      %swap3A_61 = vector.shape_cast %broadcast_in_dim3A_56 : vector<16xf32> to vector<1x16xf32>
      tpu.vector_store %arg9[%swap3A_57, %swap3A_58], %swap3A_61 {strides = array<i32>} : memref<125x64xf32, #tpu.memory_space<vmem>>, vector<1x16xf32>,
      %broadcast_in_dim3A_62 = arith.constant 0.000000e+00 : f32
      %broadcast_in_dim3A_63 = vector.broadcast %broadcast_in_dim3A_62 : f32 to vector<16xf32>
      %swap3A_64 = arith.index_cast %scan3A_41 : i32 to index
      %swap3A_65 = arith.constant 48 : index
      %swap3A_66 = tpu.vector_load %arg9[%swap3A_64, %swap3A_65] {strides = array<i32>} : memref<125x64xf32, #tpu.memory_space<vmem>>, vector<1x16xf32>,
      %swap3A_67 = vector.shape_cast %swap3A_66 : vector<1x16xf32> to vector<16xf32>
      %swap3A_68 = vector.shape_cast %broadcast_in_dim3A_63 : vector<16xf32> to vector<1x16xf32>
      tpu.vector_store %arg9[%swap3A_64, %swap3A_65], %swap3A_68 {strides = array<i32>} : memref<125x64xf32, #tpu.memory_space<vmem>>, vector<1x16xf32>,
      %scan3A_69 = arith.constant 0 : i32
      scf.yield %scan3A_69 : i32
    }
    %scan3A_6 = arith.constant 125 : i32
    %mul3A_7 = arith.constant 625 : i32
    %mul3A_8 = arith.muli %arg1, %mul3A_7 : i32
    %add3A_9 = arith.constant 0 : i32
    %add3A_10 = arith.addi %mul3A_8, %add3A_9 : i32
    "tpu.region"() ({
      %run_scoped3A = tpu.sem_alloc : memref<!tpu.dma_semaphore, #tpu.memory_space<semaphore_mem>>
      %dma_start3A = arith.constant 0 : i32
      %dma_start3A_41 = tpu.memref_slice %arg10[%add3A_10, %dma_start3A] : memref<10000x64xf32, #tpu.memory_space<vmem_shared>> -> memref<125x64xf32, #tpu.memory_space<vmem_shared>>
      %dma_start3A_42 = arith.constant 0 : i32
      %dma_start3A_43 = tpu.memref_slice %arg10[%add3A_10, %dma_start3A_42] : memref<10000x64xf32, #tpu.memory_space<vmem_shared>> -> memref<125x64xf32, #tpu.memory_space<vmem_shared>>
      tpu.enqueue_dma source(%arg9 : memref<125x64xf32, #tpu.memory_space<vmem>>) target(%dma_start3A_43 : memref<125x64xf32, #tpu.memory_space<vmem_shared>>) target_semaphore(%run_scoped3A : memref<!tpu.dma_semaphore, #tpu.memory_space<semaphore_mem>>)
      %dma_wait3A = arith.constant 0 : i32
      %dma_wait3A_44 = tpu.memref_slice %arg10[%add3A_10, %dma_wait3A] : memref<10000x64xf32, #tpu.memory_space<vmem_shared>> -> memref<125x64xf32, #tpu.memory_space<vmem_shared>>
      %dma_wait3A_45 = arith.constant 0 : i32
      %dma_wait3A_46 = tpu.memref_slice %arg10[%add3A_10, %dma_wait3A_45] : memref<10000x64xf32, #tpu.memory_space<vmem_shared>> -> memref<125x64xf32, #tpu.memory_space<vmem_shared>>
      tpu.wait_dma2 semaphore(%run_scoped3A : memref<!tpu.dma_semaphore, #tpu.memory_space<semaphore_mem>>) src(%arg9 : memref<125x64xf32, #tpu.memory_space<vmem>>) dst(%dma_wait3A_46 : memref<125x64xf32, #tpu.memory_space<vmem_shared>>)
      tpu.yield
    }) : () -> ()
    %mul3A_11 = arith.constant 625 : i32
    %mul3A_12 = arith.muli %arg1, %mul3A_11 : i32
    %add3A_13 = arith.constant 125 : i32
    %add3A_14 = arith.addi %mul3A_12, %add3A_13 : i32
    "tpu.region"() ({
      %run_scoped3A = tpu.sem_alloc : memref<!tpu.dma_semaphore, #tpu.memory_space<semaphore_mem>>
      %dma_start3A = arith.constant 0 : i32
      %dma_start3A_41 = tpu.memref_slice %arg10[%add3A_14, %dma_start3A] : memref<10000x64xf32, #tpu.memory_space<vmem_shared>> -> memref<125x64xf32, #tpu.memory_space<vmem_shared>>
      %dma_start3A_42 = arith.constant 0 : i32
      %dma_start3A_43 = tpu.memref_slice %arg10[%add3A_14, %dma_start3A_42] : memref<10000x64xf32, #tpu.memory_space<vmem_shared>> -> memref<125x64xf32, #tpu.memory_space<vmem_shared>>
      tpu.enqueue_dma source(%arg9 : memref<125x64xf32, #tpu.memory_space<vmem>>) target(%dma_start3A_43 : memref<125x64xf32, #tpu.memory_space<vmem_shared>>) target_semaphore(%run_scoped3A : memref<!tpu.dma_semaphore, #tpu.memory_space<semaphore_mem>>)
      %dma_wait3A = arith.constant 0 : i32
      %dma_wait3A_44 = tpu.memref_slice %arg10[%add3A_14, %dma_wait3A] : memref<10000x64xf32, #tpu.memory_space<vmem_shared>> -> memref<125x64xf32, #tpu.memory_space<vmem_shared>>
      %dma_wait3A_45 = arith.constant 0 : i32
      %dma_wait3A_46 = tpu.memref_slice %arg10[%add3A_14, %dma_wait3A_45] : memref<10000x64xf32, #tpu.memory_space<vmem_shared>> -> memref<125x64xf32, #tpu.memory_space<vmem_shared>>
      tpu.wait_dma2 semaphore(%run_scoped3A : memref<!tpu.dma_semaphore, #tpu.memory_space<semaphore_mem>>) src(%arg9 : memref<125x64xf32, #tpu.memory_space<vmem>>) dst(%dma_wait3A_46 : memref<125x64xf32, #tpu.memory_space<vmem_shared>>)
      tpu.yield
    }) : () -> ()
    %mul3A_15 = arith.constant 625 : i32
    %mul3A_16 = arith.muli %arg1, %mul3A_15 : i32
    %add3A_17 = arith.constant 250 : i32
    %add3A_18 = arith.addi %mul3A_16, %add3A_17 : i32
    "tpu.region"() ({
      %run_scoped3A = tpu.sem_alloc : memref<!tpu.dma_semaphore, #tpu.memory_space<semaphore_mem>>
      %dma_start3A = arith.constant 0 : i32
      %dma_start3A_41 = tpu.memref_slice %arg10[%add3A_18, %dma_start3A] : memref<10000x64xf32, #tpu.memory_space<vmem_shared>> -> memref<125x64xf32, #tpu.memory_space<vmem_shared>>
      %dma_start3A_42 = arith.constant 0 : i32
      %dma_start3A_43 = tpu.memref_slice %arg10[%add3A_18, %dma_start3A_42] : memref<10000x64xf32, #tpu.memory_space<vmem_shared>> -> memref<125x64xf32, #tpu.memory_space<vmem_shared>>
      tpu.enqueue_dma source(%arg9 : memref<125x64xf32, #tpu.memory_space<vmem>>) target(%dma_start3A_43 : memref<125x64xf32, #tpu.memory_space<vmem_shared>>) target_semaphore(%run_scoped3A : memref<!tpu.dma_semaphore, #tpu.memory_space<semaphore_mem>>)
      %dma_wait3A = arith.constant 0 : i32
      %dma_wait3A_44 = tpu.memref_slice %arg10[%add3A_18, %dma_wait3A] : memref<10000x64xf32, #tpu.memory_space<vmem_shared>> -> memref<125x64xf32, #tpu.memory_space<vmem_shared>>
      %dma_wait3A_45 = arith.constant 0 : i32
      %dma_wait3A_46 = tpu.memref_slice %arg10[%add3A_18, %dma_wait3A_45] : memref<10000x64xf32, #tpu.memory_space<vmem_shared>> -> memref<125x64xf32, #tpu.memory_space<vmem_shared>>
      tpu.wait_dma2 semaphore(%run_scoped3A : memref<!tpu.dma_semaphore, #tpu.memory_space<semaphore_mem>>) src(%arg9 : memref<125x64xf32, #tpu.memory_space<vmem>>) dst(%dma_wait3A_46 : memref<125x64xf32, #tpu.memory_space<vmem_shared>>)
      tpu.yield
    }) : () -> ()
    %mul3A_19 = arith.constant 625 : i32
    %mul3A_20 = arith.muli %arg1, %mul3A_19 : i32
    %add3A_21 = arith.constant 375 : i32
    %add3A_22 = arith.addi %mul3A_20, %add3A_21 : i32
    "tpu.region"() ({
      %run_scoped3A = tpu.sem_alloc : memref<!tpu.dma_semaphore, #tpu.memory_space<semaphore_mem>>
      %dma_start3A = arith.constant 0 : i32
      %dma_start3A_41 = tpu.memref_slice %arg10[%add3A_22, %dma_start3A] : memref<10000x64xf32, #tpu.memory_space<vmem_shared>> -> memref<125x64xf32, #tpu.memory_space<vmem_shared>>
      %dma_start3A_42 = arith.constant 0 : i32
      %dma_start3A_43 = tpu.memref_slice %arg10[%add3A_22, %dma_start3A_42] : memref<10000x64xf32, #tpu.memory_space<vmem_shared>> -> memref<125x64xf32, #tpu.memory_space<vmem_shared>>
      tpu.enqueue_dma source(%arg9 : memref<125x64xf32, #tpu.memory_space<vmem>>) target(%dma_start3A_43 : memref<125x64xf32, #tpu.memory_space<vmem_shared>>) target_semaphore(%run_scoped3A : memref<!tpu.dma_semaphore, #tpu.memory_space<semaphore_mem>>)
      %dma_wait3A = arith.constant 0 : i32
      %dma_wait3A_44 = tpu.memref_slice %arg10[%add3A_22, %dma_wait3A] : memref<10000x64xf32, #tpu.memory_space<vmem_shared>> -> memref<125x64xf32, #tpu.memory_space<vmem_shared>>
      %dma_wait3A_45 = arith.constant 0 : i32
      %dma_wait3A_46 = tpu.memref_slice %arg10[%add3A_22, %dma_wait3A_45] : memref<10000x64xf32, #tpu.memory_space<vmem_shared>> -> memref<125x64xf32, #tpu.memory_space<vmem_shared>>
      tpu.wait_dma2 semaphore(%run_scoped3A : memref<!tpu.dma_semaphore, #tpu.memory_space<semaphore_mem>>) src(%arg9 : memref<125x64xf32, #tpu.memory_space<vmem>>) dst(%dma_wait3A_46 : memref<125x64xf32, #tpu.memory_space<vmem_shared>>)
      tpu.yield
    }) : () -> ()
    %mul3A_23 = arith.constant 625 : i32
    %mul3A_24 = arith.muli %arg1, %mul3A_23 : i32
    %add3A_25 = arith.constant 500 : i32
    %add3A_26 = arith.addi %mul3A_24, %add3A_25 : i32
    "tpu.region"() ({
      %run_scoped3A = tpu.sem_alloc : memref<!tpu.dma_semaphore, #tpu.memory_space<semaphore_mem>>
      %dma_start3A = arith.constant 0 : i32
      %dma_start3A_41 = tpu.memref_slice %arg10[%add3A_26, %dma_start3A] : memref<10000x64xf32, #tpu.memory_space<vmem_shared>> -> memref<125x64xf32, #tpu.memory_space<vmem_shared>>
      %dma_start3A_42 = arith.constant 0 : i32
      %dma_start3A_43 = tpu.memref_slice %arg10[%add3A_26, %dma_start3A_42] : memref<10000x64xf32, #tpu.memory_space<vmem_shared>> -> memref<125x64xf32, #tpu.memory_space<vmem_shared>>
      tpu.enqueue_dma source(%arg9 : memref<125x64xf32, #tpu.memory_space<vmem>>) target(%dma_start3A_43 : memref<125x64xf32, #tpu.memory_space<vmem_shared>>) target_semaphore(%run_scoped3A : memref<!tpu.dma_semaphore, #tpu.memory_space<semaphore_mem>>)
      %dma_wait3A = arith.constant 0 : i32
      %dma_wait3A_44 = tpu.memref_slice %arg10[%add3A_26, %dma_wait3A] : memref<10000x64xf32, #tpu.memory_space<vmem_shared>> -> memref<125x64xf32, #tpu.memory_space<vmem_shared>>
      %dma_wait3A_45 = arith.constant 0 : i32
      %dma_wait3A_46 = tpu.memref_slice %arg10[%add3A_26, %dma_wait3A_45] : memref<10000x64xf32, #tpu.memory_space<vmem_shared>> -> memref<125x64xf32, #tpu.memory_space<vmem_shared>>
      tpu.wait_dma2 semaphore(%run_scoped3A : memref<!tpu.dma_semaphore, #tpu.memory_space<semaphore_mem>>) src(%arg9 : memref<125x64xf32, #tpu.memory_space<vmem>>) dst(%dma_wait3A_46 : memref<125x64xf32, #tpu.memory_space<vmem_shared>>)
      tpu.yield
    }) : () -> ()
    %barrier3A = arith.constant 0 : index
    tpu.barrier barrier_id(%barrier3A)
    %mul3A_27 = arith.constant 10000 : i32
    %mul3A_28 = arith.muli %add3A, %mul3A_27 : i32
    %scan3A_29 = arith.constant 0 : i32
    %scan3A_30 = arith.constant 0 : i32
    %scan3A_31 = arith.constant 125 : i32
    %scan3A_32 = arith.addi %scan3A_30, %scan3A_31 : i32
    %scan3A_33 = arith.constant 1 : i32
    %scan3A_34 = scf.for %scan3A_41 = %scan3A_30 to %scan3A_32 step %scan3A_33 iter_args(%scan3A_42 = %scan3A_29) -> (i32)  : i32 {
      %mul3A_43 = arith.constant 80 : i32
      %mul3A_44 = arith.muli %scan3A_41, %mul3A_43 : i32
      %add3A_45 = arith.addi %mul3A_28, %mul3A_44 : i32
      "tpu.region"() ({
        %run_scoped3A = tpu.sem_alloc : memref<!tpu.dma_semaphore, #tpu.memory_space<semaphore_mem>>
        %dma_start3A_51 = tpu.memref_slice %arg3[%add3A_45] : memref<320000xi32, #tpu.memory_space<hbm>> -> memref<80xi32, #tpu.memory_space<hbm>>
        %dma_start3A_52 = tpu.memref_slice %arg3[%add3A_45] : memref<320000xi32, #tpu.memory_space<hbm>> -> memref<80xi32, #tpu.memory_space<hbm>>
        tpu.enqueue_dma source(%dma_start3A_52 : memref<80xi32, #tpu.memory_space<hbm>>) target(%arg6 : memref<80xi32, #tpu.memory_space<vmem>>) target_semaphore(%run_scoped3A : memref<!tpu.dma_semaphore, #tpu.memory_space<semaphore_mem>>)
        %dma_wait3A_53 = tpu.memref_slice %arg3[%add3A_45] : memref<320000xi32, #tpu.memory_space<hbm>> -> memref<80xi32, #tpu.memory_space<hbm>>
        %dma_wait3A_54 = tpu.memref_slice %arg3[%add3A_45] : memref<320000xi32, #tpu.memory_space<hbm>> -> memref<80xi32, #tpu.memory_space<hbm>>
        tpu.wait_dma2 semaphore(%run_scoped3A : memref<!tpu.dma_semaphore, #tpu.memory_space<semaphore_mem>>) src(%dma_wait3A_54 : memref<80xi32, #tpu.memory_space<hbm>>) dst(%arg6 : memref<80xi32, #tpu.memory_space<vmem>>)
        tpu.yield
      }) : () -> ()
      "tpu.region"() ({
        %run_scoped3A = tpu.sem_alloc : memref<!tpu.dma_semaphore, #tpu.memory_space<semaphore_mem>>
        %dma_start3A_51 = tpu.memref_slice %arg4[%add3A_45] : memref<320000xi32, #tpu.memory_space<hbm>> -> memref<80xi32, #tpu.memory_space<hbm>>
        %dma_start3A_52 = tpu.memref_slice %arg4[%add3A_45] : memref<320000xi32, #tpu.memory_space<hbm>> -> memref<80xi32, #tpu.memory_space<hbm>>
        tpu.enqueue_dma source(%dma_start3A_52 : memref<80xi32, #tpu.memory_space<hbm>>) target(%arg7 : memref<80xi32, #tpu.memory_space<vmem>>) target_semaphore(%run_scoped3A : memref<!tpu.dma_semaphore, #tpu.memory_space<semaphore_mem>>)
        %dma_wait3A_53 = tpu.memref_slice %arg4[%add3A_45] : memref<320000xi32, #tpu.memory_space<hbm>> -> memref<80xi32, #tpu.memory_space<hbm>>
        %dma_wait3A_54 = tpu.memref_slice %arg4[%add3A_45] : memref<320000xi32, #tpu.memory_space<hbm>> -> memref<80xi32, #tpu.memory_space<hbm>>
        tpu.wait_dma2 semaphore(%run_scoped3A : memref<!tpu.dma_semaphore, #tpu.memory_space<semaphore_mem>>) src(%dma_wait3A_54 : memref<80xi32, #tpu.memory_space<hbm>>) dst(%arg7 : memref<80xi32, #tpu.memory_space<vmem>>)
        tpu.yield
      }) : () -> ()
      %dma_start3A = arith.constant 0 : i32
      %dma_start3A_46 = arith.constant 0 : i32
      %dma_start3A_47 = tpu.memref_slice %arg2[%dma_start3A, %dma_start3A_46] : memref<10000x64xf32, #tpu.memory_space<hbm>> -> memref<10000x64xf32, #tpu.memory_space<hbm>>
      tpu.enqueue_indirect_dma source(%dma_start3A_47 : memref<10000x64xf32, #tpu.memory_space<hbm>>) target(%arg8 : memref<80x64xf32, #tpu.memory_space<vmem>>) offsets(%arg6 : memref<80xi32, #tpu.memory_space<vmem>>) semaphore(%arg11 : memref<!tpu.dma_semaphore, #tpu.memory_space<semaphore_mem>>)
      %dma_wait3A = arith.constant 0 : i32
      %dma_wait3A_48 = arith.constant 0 : i32
      %dma_wait3A_49 = tpu.memref_slice %arg2[%dma_wait3A, %dma_wait3A_48] : memref<10000x64xf32, #tpu.memory_space<hbm>> -> memref<10000x64xf32, #tpu.memory_space<hbm>>
      tpu.wait_indirect_dma semaphore(%arg11 : memref<!tpu.dma_semaphore, #tpu.memory_space<semaphore_mem>>) src(%dma_wait3A_49 : memref<10000x64xf32, #tpu.memory_space<hbm>>) dst(%arg8 : memref<80x64xf32, #tpu.memory_space<vmem>>)
      "tpu.region"() ({
        %run_scoped3A = tpu.sem_alloc : memref<!tpu.dma_semaphore, #tpu.memory_space<semaphore_mem>>
        %dma_start3A_51 = arith.constant 0 : i32
        %dma_start3A_52 = arith.constant 0 : i32
        %dma_start3A_53 = tpu.memref_slice %arg10[%dma_start3A_51, %dma_start3A_52] : memref<10000x64xf32, #tpu.memory_space<vmem_shared>> -> memref<10000x64xf32, #tpu.memory_space<vmem_shared>>
        tpu.enqueue_indirect_dma source(%arg8 : memref<80x64xf32, #tpu.memory_space<vmem>>) target(%dma_start3A_53 : memref<10000x64xf32, #tpu.memory_space<vmem_shared>>) offsets(%arg7 : memref<80xi32, #tpu.memory_space<vmem>>) semaphore(%run_scoped3A : memref<!tpu.dma_semaphore, #tpu.memory_space<semaphore_mem>>) {add = true}
        %dma_wait3A_54 = arith.constant 0 : i32
        %dma_wait3A_55 = arith.constant 0 : i32
        %dma_wait3A_56 = tpu.memref_slice %arg10[%dma_wait3A_54, %dma_wait3A_55] : memref<10000x64xf32, #tpu.memory_space<vmem_shared>> -> memref<10000x64xf32, #tpu.memory_space<vmem_shared>>
        tpu.wait_indirect_dma semaphore(%run_scoped3A : memref<!tpu.dma_semaphore, #tpu.memory_space<semaphore_mem>>) src(%arg8 : memref<80x64xf32, #tpu.memory_space<vmem>>) dst(%dma_wait3A_56 : memref<10000x64xf32, #tpu.memory_space<vmem_shared>>)
        tpu.yield
      }) : () -> ()
      %scan3A_50 = arith.constant 0 : i32
      scf.yield %scan3A_50 : i32
    }
    %scan3A_35 = arith.constant 125 : i32
    %barrier3A_36 = arith.constant 0 : index
    tpu.barrier barrier_id(%barrier3A_36)
    %mul3A_37 = arith.constant 625 : i32
    %mul3A_38 = arith.muli %arg1, %mul3A_37 : i32
    %mul3A_39 = arith.constant 625 : i32
    %mul3A_40 = arith.muli %arg1, %mul3A_39 : i32
    "tpu.region"() ({
      %run_scoped3A = tpu.sem_alloc : memref<!tpu.dma_semaphore, #tpu.memory_space<semaphore_mem>>
      %dma_start3A = arith.constant 0 : i32
      %dma_start3A_41 = tpu.memref_slice %arg5[%arg0, %mul3A_40, %dma_start3A] : memref<2x10000x64xf32, #tpu.memory_space<hbm>> -> memref<1x625x64xf32, #tpu.memory_space<hbm>>
      %dma_start3A_42 = tpu.memref_squeeze %dma_start3A_41 : memref<1x625x64xf32, #tpu.memory_space<hbm>> -> memref<625x64xf32, #tpu.memory_space<hbm>>
      %dma_start3A_43 = arith.constant 0 : i32
      %dma_start3A_44 = tpu.memref_slice %arg10[%mul3A_38, %dma_start3A_43] : memref<10000x64xf32, #tpu.memory_space<vmem_shared>> -> memref<625x64xf32, #tpu.memory_space<vmem_shared>>
      tpu.enqueue_dma source(%dma_start3A_44 : memref<625x64xf32, #tpu.memory_space<vmem_shared>>) target(%dma_start3A_42 : memref<625x64xf32, #tpu.memory_space<hbm>>) target_semaphore(%run_scoped3A : memref<!tpu.dma_semaphore, #tpu.memory_space<semaphore_mem>>)
      %dma_wait3A = arith.constant 0 : i32
      %dma_wait3A_45 = tpu.memref_slice %arg5[%arg0, %mul3A_40, %dma_wait3A] : memref<2x10000x64xf32, #tpu.memory_space<hbm>> -> memref<1x625x64xf32, #tpu.memory_space<hbm>>
      %dma_wait3A_46 = tpu.memref_squeeze %dma_wait3A_45 : memref<1x625x64xf32, #tpu.memory_space<hbm>> -> memref<625x64xf32, #tpu.memory_space<hbm>>
      %dma_wait3A_47 = arith.constant 0 : i32
      %dma_wait3A_48 = tpu.memref_slice %arg10[%mul3A_38, %dma_wait3A_47] : memref<10000x64xf32, #tpu.memory_space<vmem_shared>> -> memref<625x64xf32, #tpu.memory_space<vmem_shared>>
      tpu.wait_dma2 semaphore(%run_scoped3A : memref<!tpu.dma_semaphore, #tpu.memory_space<semaphore_mem>>) src(%dma_wait3A_48 : memref<625x64xf32, #tpu.memory_space<vmem_shared>>) dst(%dma_wait3A_46 : memref<625x64xf32, #tpu.memory_space<hbm>>)
      tpu.yield
    }) : () -> ()
    return
  }
}

module attributes {stable_mosaic.version = 14 : i64} {
  func.func @body(%arg0: memref<10000x128xf32, #tpu.memory_space<vmem>>, %arg1: memref<128x64xf32, #tpu.memory_space<vmem>>, %arg2: memref<10000x64xf32, #tpu.memory_space<vmem>>) attributes {dimension_semantics = [], scalar_prefetch = 0 : i64, scratch_operands = 0 : i64, tpu.core_type = #tpu.core_type<tc>} {
    %get3A = arith.constant 0 : index
    %get3A_0 = arith.constant 0 : index
    %get3A_1 = vector.load %arg0[%get3A, %get3A_0] : memref<10000x128xf32, #tpu.memory_space<vmem>>, vector<10000x128xf32>
    %get3A_2 = arith.constant 0 : index
    %get3A_3 = arith.constant 0 : index
    %get3A_4 = vector.load %arg1[%get3A_2, %get3A_3] : memref<128x64xf32, #tpu.memory_space<vmem>>, vector<128x64xf32>
    %dot_general3A = arith.constant dense<0.000000e+00> : vector<10000x64xf32>
    %dot_general3A_5 = tpu.matmul %get3A_1, %get3A_4, %dot_general3A {dimension_numbers = #tpu.dot_dimension_numbers<[1], [0], [0], [1], [0, 0, 1, 1], [], []>, transpose_lhs_hint = false} : vector<10000x128xf32>, vector<128x64xf32>, vector<10000x64xf32> -> vector<10000x64xf32>
    %swap3A = arith.constant 0 : index
    %swap3A_6 = arith.constant 0 : index
    %swap3A_7 = vector.load %arg2[%swap3A, %swap3A_6] : memref<10000x64xf32, #tpu.memory_space<vmem>>, vector<10000x64xf32>
    tpu.vector_store %arg2[%swap3A, %swap3A_6], %dot_general3A_5 {strides = array<i32>} : memref<10000x64xf32, #tpu.memory_space<vmem>>, vector<10000x64xf32>,
    return
  }
}

module attributes {stable_mosaic.version = 14 : i64} {
  func.func @body(%arg0: memref<10000x64xf32, #tpu.memory_space<vmem>>, %arg1: memref<2x10000x16xf32, #tpu.memory_space<vmem>>, %arg2: memref<10000x64xf32, #tpu.memory_space<vmem>>, %arg3: memref<10000x1xf32, #tpu.memory_space<vmem>>) attributes {dimension_semantics = [], scalar_prefetch = 0 : i64, scratch_operands = 0 : i64, tpu.core_type = #tpu.core_type<tc>} {
    %get3A = arith.constant 0 : index
    %get3A_0 = arith.constant 0 : index
    %get3A_1 = arith.constant 0 : index
    %get3A_2 = vector.load %arg1[%get3A, %get3A_0, %get3A_1] : memref<2x10000x16xf32, #tpu.memory_space<vmem>>, vector<1x10000x1xf32>
    %get3A_3 = vector.shape_cast %get3A_2 : vector<1x10000x1xf32> to vector<10000x1xf32>
    %get3A_4 = arith.constant 1 : index
    %get3A_5 = arith.constant 0 : index
    %get3A_6 = arith.constant 0 : index
    %get3A_7 = vector.load %arg1[%get3A_4, %get3A_5, %get3A_6] : memref<2x10000x16xf32, #tpu.memory_space<vmem>>, vector<1x10000x1xf32>
    %get3A_8 = vector.shape_cast %get3A_7 : vector<1x10000x1xf32> to vector<10000x1xf32>
    %add3A = arith.addf %get3A_3, %get3A_8 : vector<10000x1xf32>
    %add3A_9 = arith.constant 1.000000e+00 : f32
    %add3A_10 = vector.broadcast %add3A_9 : f32 to vector<10000x1xf32>
    %add3A_11 = arith.addf %add3A, %add3A_10 : vector<10000x1xf32>
    %max3A = arith.constant 1.000000e+00 : f32
    %max3A_12 = vector.broadcast %max3A : f32 to vector<10000x1xf32>
    %max3A_13 = arith.maximumf %add3A_11, %max3A_12 : vector<10000x1xf32>
    %rsqrt3A = math.rsqrt %max3A_13 : vector<10000x1xf32>
    %swap3A = arith.constant 0 : index
    %swap3A_14 = arith.constant 0 : index
    %swap3A_15 = vector.load %arg3[%swap3A, %swap3A_14] : memref<10000x1xf32, #tpu.memory_space<vmem>>, vector<10000x1xf32>
    tpu.vector_store %arg3[%swap3A, %swap3A_14], %rsqrt3A {strides = array<i32>} : memref<10000x1xf32, #tpu.memory_space<vmem>>, vector<10000x1xf32>,
    %get3A_16 = arith.constant 0 : index
    %get3A_17 = arith.constant 0 : index
    %get3A_18 = vector.load %arg0[%get3A_16, %get3A_17] : memref<10000x64xf32, #tpu.memory_space<vmem>>, vector<10000x64xf32>
    %mul3A = vector.broadcast %rsqrt3A : vector<10000x1xf32> to vector<10000x64xf32>
    %mul3A_19 = arith.mulf %get3A_18, %mul3A : vector<10000x64xf32>
    %swap3A_20 = arith.constant 0 : index
    %swap3A_21 = arith.constant 0 : index
    %swap3A_22 = vector.load %arg2[%swap3A_20, %swap3A_21] : memref<10000x64xf32, #tpu.memory_space<vmem>>, vector<10000x64xf32>
    tpu.vector_store %arg2[%swap3A_20, %swap3A_21], %mul3A_19 {strides = array<i32>} : memref<10000x64xf32, #tpu.memory_space<vmem>>, vector<10000x64xf32>,
    return
  }
}

module attributes {stable_mosaic.version = 14 : i64} {
  func.func @body(%arg0: memref<2x10000x64xf32, #tpu.memory_space<vmem>>, %arg1: memref<10000x64xf32, #tpu.memory_space<vmem>>, %arg2: memref<10000x1xf32, #tpu.memory_space<vmem>>, %arg3: memref<1x64xf32, #tpu.memory_space<vmem>>, %arg4: memref<1x64xf32, #tpu.memory_space<vmem>>, %arg5: memref<1x64xf32, #tpu.memory_space<vmem>>, %arg6: memref<64x64xf32, #tpu.memory_space<vmem>>, %arg7: memref<10000x64xf32, #tpu.memory_space<vmem>>) attributes {dimension_semantics = [], scalar_prefetch = 0 : i64, scratch_operands = 0 : i64, tpu.core_type = #tpu.core_type<tc>} {
    %get3A = arith.constant 0 : index
    %get3A_0 = arith.constant 0 : index
    %get3A_1 = vector.load %arg2[%get3A, %get3A_0] : memref<10000x1xf32, #tpu.memory_space<vmem>>, vector<10000x1xf32>
    %get3A_2 = arith.constant 0 : index
    %get3A_3 = arith.constant 0 : index
    %get3A_4 = arith.constant 0 : index
    %get3A_5 = vector.load %arg0[%get3A_2, %get3A_3, %get3A_4] : memref<2x10000x64xf32, #tpu.memory_space<vmem>>, vector<1x10000x64xf32>
    %get3A_6 = vector.shape_cast %get3A_5 : vector<1x10000x64xf32> to vector<10000x64xf32>
    %get3A_7 = arith.constant 1 : index
    %get3A_8 = arith.constant 0 : index
    %get3A_9 = arith.constant 0 : index
    %get3A_10 = vector.load %arg0[%get3A_7, %get3A_8, %get3A_9] : memref<2x10000x64xf32, #tpu.memory_space<vmem>>, vector<1x10000x64xf32>
    %get3A_11 = vector.shape_cast %get3A_10 : vector<1x10000x64xf32> to vector<10000x64xf32>
    %add3A = arith.addf %get3A_6, %get3A_11 : vector<10000x64xf32>
    %get3A_12 = arith.constant 0 : index
    %get3A_13 = arith.constant 0 : index
    %get3A_14 = vector.load %arg1[%get3A_12, %get3A_13] : memref<10000x64xf32, #tpu.memory_space<vmem>>, vector<10000x64xf32>
    %add3A_15 = arith.addf %add3A, %get3A_14 : vector<10000x64xf32>
    %mul3A = vector.broadcast %get3A_1 : vector<10000x1xf32> to vector<10000x64xf32>
    %mul3A_16 = arith.mulf %mul3A, %add3A_15 : vector<10000x64xf32>
    %get3A_17 = arith.constant 0 : index
    %get3A_18 = arith.constant 0 : index
    %get3A_19 = vector.load %arg3[%get3A_17, %get3A_18] : memref<1x64xf32, #tpu.memory_space<vmem>>, vector<1x64xf32>
    %add3A_20 = vector.broadcast %get3A_19 : vector<1x64xf32> to vector<10000x64xf32>
    %add3A_21 = arith.addf %mul3A_16, %add3A_20 : vector<10000x64xf32>
    %reduce_sum3A = arith.constant dense<0.000000e+00> : vector<64xf32>
    %reduce_sum3A_22 = vector.multi_reduction <add>, %add3A_21, %reduce_sum3A [0] : vector<10000x64xf32> to vector<64xf32>
    %broadcast_in_dim3A = vector.shape_cast %reduce_sum3A_22 : vector<64xf32> to vector<1x64xf32>
    %div3A = arith.constant 1.000000e+04 : f32
    %div3A_23 = vector.broadcast %div3A : f32 to vector<1x64xf32>
    %div3A_24 = arith.divf %broadcast_in_dim3A, %div3A_23 : vector<1x64xf32>
    %sub3A = vector.broadcast %div3A_24 : vector<1x64xf32> to vector<10000x64xf32>
    %sub3A_25 = arith.subf %add3A_21, %sub3A : vector<10000x64xf32>
    %mul3A_26 = arith.mulf %sub3A_25, %sub3A_25 : vector<10000x64xf32>
    %reduce_sum3A_27 = arith.constant dense<0.000000e+00> : vector<64xf32>
    %reduce_sum3A_28 = vector.multi_reduction <add>, %mul3A_26, %reduce_sum3A_27 [0] : vector<10000x64xf32> to vector<64xf32>
    %broadcast_in_dim3A_29 = vector.shape_cast %reduce_sum3A_28 : vector<64xf32> to vector<1x64xf32>
    %div3A_30 = arith.constant 1.000000e+04 : f32
    %div3A_31 = vector.broadcast %div3A_30 : f32 to vector<1x64xf32>
    %div3A_32 = arith.divf %broadcast_in_dim3A_29, %div3A_31 : vector<1x64xf32>
    %get3A_33 = arith.constant 0 : index
    %get3A_34 = arith.constant 0 : index
    %get3A_35 = vector.load %arg4[%get3A_33, %get3A_34] : memref<1x64xf32, #tpu.memory_space<vmem>>, vector<1x64xf32>
    %mul3A_36 = vector.broadcast %get3A_35 : vector<1x64xf32> to vector<10000x64xf32>
    %mul3A_37 = arith.mulf %mul3A_36, %sub3A_25 : vector<10000x64xf32>
    %add3A_38 = arith.constant 9.99999974E-6 : f32
    %add3A_39 = vector.broadcast %add3A_38 : f32 to vector<1x64xf32>
    %add3A_40 = arith.addf %div3A_32, %add3A_39 : vector<1x64xf32>
    %rsqrt3A = math.rsqrt %add3A_40 : vector<1x64xf32>
    %mul3A_41 = vector.broadcast %rsqrt3A : vector<1x64xf32> to vector<10000x64xf32>
    %mul3A_42 = arith.mulf %mul3A_37, %mul3A_41 : vector<10000x64xf32>
    %get3A_43 = arith.constant 0 : index
    %get3A_44 = arith.constant 0 : index
    %get3A_45 = vector.load %arg5[%get3A_43, %get3A_44] : memref<1x64xf32, #tpu.memory_space<vmem>>, vector<1x64xf32>
    %add3A_46 = vector.broadcast %get3A_45 : vector<1x64xf32> to vector<10000x64xf32>
    %add3A_47 = arith.addf %mul3A_42, %add3A_46 : vector<10000x64xf32>
    %max3A = arith.constant 0.000000e+00 : f32
    %max3A_48 = vector.broadcast %max3A : f32 to vector<10000x64xf32>
    %max3A_49 = arith.maximumf %add3A_47, %max3A_48 : vector<10000x64xf32>
    %get3A_50 = arith.constant 0 : index
    %get3A_51 = arith.constant 0 : index
    %get3A_52 = vector.load %arg6[%get3A_50, %get3A_51] : memref<64x64xf32, #tpu.memory_space<vmem>>, vector<64x64xf32>
    %dot_general3A = arith.constant dense<0.000000e+00> : vector<10000x64xf32>
    %dot_general3A_53 = tpu.matmul %max3A_49, %get3A_52, %dot_general3A {dimension_numbers = #tpu.dot_dimension_numbers<[1], [0], [0], [1], [0, 0, 1, 1], [], []>, transpose_lhs_hint = false} : vector<10000x64xf32>, vector<64x64xf32>, vector<10000x64xf32> -> vector<10000x64xf32>
    %mul3A_54 = vector.broadcast %get3A_1 : vector<10000x1xf32> to vector<10000x64xf32>
    %mul3A_55 = arith.mulf %dot_general3A_53, %mul3A_54 : vector<10000x64xf32>
    %swap3A = arith.constant 0 : index
    %swap3A_56 = arith.constant 0 : index
    %swap3A_57 = vector.load %arg7[%swap3A, %swap3A_56] : memref<10000x64xf32, #tpu.memory_space<vmem>>, vector<10000x64xf32>
    tpu.vector_store %arg7[%swap3A, %swap3A_56], %mul3A_55 {strides = array<i32>} : memref<10000x64xf32, #tpu.memory_space<vmem>>, vector<10000x64xf32>,
    return
  }
}

module attributes {stable_mosaic.version = 14 : i64} {
  func.func @body(%arg0: memref<2x10000x64xf32, #tpu.memory_space<vmem>>, %arg1: memref<10000x64xf32, #tpu.memory_space<vmem>>, %arg2: memref<10000x1xf32, #tpu.memory_space<vmem>>, %arg3: memref<1x64xf32, #tpu.memory_space<vmem>>, %arg4: memref<64x4xf32, #tpu.memory_space<vmem>>, %arg5: memref<1x4xf32, #tpu.memory_space<vmem>>, %arg6: memref<64x4xf32, #tpu.memory_space<vmem>>, %arg7: memref<1x4xf32, #tpu.memory_space<vmem>>, %arg8: memref<10000x4xf32, #tpu.memory_space<vmem>>, %arg9: memref<10000x4xf32, #tpu.memory_space<vmem>>) attributes {dimension_semantics = [], scalar_prefetch = 0 : i64, scratch_operands = 0 : i64, tpu.core_type = #tpu.core_type<tc>} {
    %get3A = arith.constant 0 : index
    %get3A_0 = arith.constant 0 : index
    %get3A_1 = vector.load %arg2[%get3A, %get3A_0] : memref<10000x1xf32, #tpu.memory_space<vmem>>, vector<10000x1xf32>
    %get3A_2 = arith.constant 0 : index
    %get3A_3 = arith.constant 0 : index
    %get3A_4 = arith.constant 0 : index
    %get3A_5 = vector.load %arg0[%get3A_2, %get3A_3, %get3A_4] : memref<2x10000x64xf32, #tpu.memory_space<vmem>>, vector<1x10000x64xf32>
    %get3A_6 = vector.shape_cast %get3A_5 : vector<1x10000x64xf32> to vector<10000x64xf32>
    %get3A_7 = arith.constant 1 : index
    %get3A_8 = arith.constant 0 : index
    %get3A_9 = arith.constant 0 : index
    %get3A_10 = vector.load %arg0[%get3A_7, %get3A_8, %get3A_9] : memref<2x10000x64xf32, #tpu.memory_space<vmem>>, vector<1x10000x64xf32>
    %get3A_11 = vector.shape_cast %get3A_10 : vector<1x10000x64xf32> to vector<10000x64xf32>
    %add3A = arith.addf %get3A_6, %get3A_11 : vector<10000x64xf32>
    %get3A_12 = arith.constant 0 : index
    %get3A_13 = arith.constant 0 : index
    %get3A_14 = vector.load %arg1[%get3A_12, %get3A_13] : memref<10000x64xf32, #tpu.memory_space<vmem>>, vector<10000x64xf32>
    %add3A_15 = arith.addf %add3A, %get3A_14 : vector<10000x64xf32>
    %mul3A = vector.broadcast %get3A_1 : vector<10000x1xf32> to vector<10000x64xf32>
    %mul3A_16 = arith.mulf %mul3A, %add3A_15 : vector<10000x64xf32>
    %get3A_17 = arith.constant 0 : index
    %get3A_18 = arith.constant 0 : index
    %get3A_19 = vector.load %arg3[%get3A_17, %get3A_18] : memref<1x64xf32, #tpu.memory_space<vmem>>, vector<1x64xf32>
    %add3A_20 = vector.broadcast %get3A_19 : vector<1x64xf32> to vector<10000x64xf32>
    %add3A_21 = arith.addf %mul3A_16, %add3A_20 : vector<10000x64xf32>
    %get3A_22 = arith.constant 0 : index
    %get3A_23 = arith.constant 0 : index
    %get3A_24 = vector.load %arg4[%get3A_22, %get3A_23] : memref<64x4xf32, #tpu.memory_space<vmem>>, vector<64x4xf32>
    %dot_general3A = arith.constant dense<0.000000e+00> : vector<10000x4xf32>
    %dot_general3A_25 = tpu.matmul %add3A_21, %get3A_24, %dot_general3A {dimension_numbers = #tpu.dot_dimension_numbers<[1], [0], [0], [1], [0, 0, 1, 1], [], []>, transpose_lhs_hint = false} : vector<10000x64xf32>, vector<64x4xf32>, vector<10000x4xf32> -> vector<10000x4xf32>
    %get3A_26 = arith.constant 0 : index
    %get3A_27 = arith.constant 0 : index
    %get3A_28 = vector.load %arg5[%get3A_26, %get3A_27] : memref<1x4xf32, #tpu.memory_space<vmem>>, vector<1x4xf32>
    %add3A_29 = vector.broadcast %get3A_28 : vector<1x4xf32> to vector<10000x4xf32>
    %add3A_30 = arith.addf %dot_general3A_25, %add3A_29 : vector<10000x4xf32>
    %swap3A = arith.constant 0 : index
    %swap3A_31 = arith.constant 0 : index
    %swap3A_32 = vector.load %arg8[%swap3A, %swap3A_31] : memref<10000x4xf32, #tpu.memory_space<vmem>>, vector<10000x4xf32>
    tpu.vector_store %arg8[%swap3A, %swap3A_31], %add3A_30 {strides = array<i32>} : memref<10000x4xf32, #tpu.memory_space<vmem>>, vector<10000x4xf32>,
    %get3A_33 = arith.constant 0 : index
    %get3A_34 = arith.constant 0 : index
    %get3A_35 = vector.load %arg6[%get3A_33, %get3A_34] : memref<64x4xf32, #tpu.memory_space<vmem>>, vector<64x4xf32>
    %dot_general3A_36 = arith.constant dense<0.000000e+00> : vector<10000x4xf32>
    %dot_general3A_37 = tpu.matmul %add3A_21, %get3A_35, %dot_general3A_36 {dimension_numbers = #tpu.dot_dimension_numbers<[1], [0], [0], [1], [0, 0, 1, 1], [], []>, transpose_lhs_hint = false} : vector<10000x64xf32>, vector<64x4xf32>, vector<10000x4xf32> -> vector<10000x4xf32>
    %get3A_38 = arith.constant 0 : index
    %get3A_39 = arith.constant 0 : index
    %get3A_40 = vector.load %arg7[%get3A_38, %get3A_39] : memref<1x4xf32, #tpu.memory_space<vmem>>, vector<1x4xf32>
    %add3A_41 = vector.broadcast %get3A_40 : vector<1x4xf32> to vector<10000x4xf32>
    %add3A_42 = arith.addf %dot_general3A_37, %add3A_41 : vector<10000x4xf32>
    %swap3A_43 = arith.constant 0 : index
    %swap3A_44 = arith.constant 0 : index
    %swap3A_45 = vector.load %arg9[%swap3A_43, %swap3A_44] : memref<10000x4xf32, #tpu.memory_space<vmem>>, vector<10000x4xf32>
    tpu.vector_store %arg9[%swap3A_43, %swap3A_44], %add3A_42 {strides = array<i32>} : memref<10000x4xf32, #tpu.memory_space<vmem>>, vector<10000x4xf32>,
    return
  }
}

</mosaic_0001>

<sc_bundles>
// kernel: kernel.11.cloned.1.call-start
scs
__scs_entry_jumppad:
0x0: {  	(pc) =	sbr.rel $0x88, $3  }
0x1: {  	(tag) =	ssettag $0x0;
	lr =	simm.s32 $0x1  }
0x2: {  	[smem:$0x3F93] =	sst lr;
	_ =	strace $0xD0000000  }
0x3: {  	_ = 	snop  }
0x4: {  	_ = 	snop  }
0x5: {  	_ = 	snop  }
0x6: {  	_ = 	snop  }
0x7: {  	_ = 	snop  }
__scs_overlays_trampoline_lowered:
0x8: {  	[smem:$0x3FA2] =	sst s0  }
0x9: {  	[smem:$0x3FA3] =	sst s1  }
0xa: {  	[smem:$0x3FA4] =	sst s2  }
0xb: {  	[smem:$0x3FA5] =	sst s3  }
0xc: {  	[smem:$0x3FA6] =	sst s4  }
0xd: {  	[smem:$0x3FA7] =	sst s5  }
0xe: {  	[smem:$0x3FA8] =	sst s6  }
0xf: {  	[smem:$0x3FA9] =	sst s7  }
0x10: {  	[smem:$0x3FAA] =	sst s8  }
0x11: {  	[smem:$0x3FAB] =	sst s9;
	s0 =	simm.s32 @!p0 $0x0  }
0x12: {  	s1 =	sld [smem:$0x3F91];
	s0 =	simm.s32 @p0 $0x1  }
0x13: {  	[smem:$0x3FAC] =	sst s0;
	s0 =	simm.s32 @!p1 $0x0  }
0x14: {  	s2 =	sld [smem:$0x3F90];
	s0 =	simm.s32 @p1 $0x1  }
0x15: {  	[smem:$0x3FAD] =	sst s0;
	s0 =	simm.s32 @!p2 $0x0  }
0x16: {  	s3 =	sld [smem:$0x3FDB];
	s0 =	simm.s32 @p2 $0x1  }
0x17: {  	s4 =	simm.s32 $0x1BF5;
	[smem:$0x3FAF] =	sst s0  }
0x18: {  	s0 =	sld [smem:$0x3F92];
	_ =	swait.ge [sflag:s4], $0x0  }
0x19: {  	s7 =	sld [smem:$0x3F93]  }
0x1a: {  	s8 =	sadd.s32 $0xFFFFE003, lr  }
0x1b: {  	s9 =	sadd.s32 $0xFFFFFEF7, lr;
	s5 =	simm.s32 $0xFFFFFFFF;
	p2 =	slt.u32 s8, $0xFFFFF086  }
0x1c: {  	p1 =	slt.u32 s9, $0xF7A;
	s5 =	simm.s32 @!p2 $0x0  }
0x1d: {  	s5 =	simm.s32 @p1 $0x1;
	p0 =	seq.s32 s7, s2  }
0x1e: {  	s7 =	smul.u32 @!p0 $0xF7A, s2;
	p2 =	seq.s32 @!p0 s5, $0x0  }
0x1f: {  	s9 =	smul.u32 $0xF7A, s1;
	s8 =	simm.s32 @!p0 $0x1BF5;
	p2 =	por !p2, p0  }
0x20: {  	[sflag:s8] =	ssyncset.s32 @!p0 $0xFFFFF086;
	s6 =	sadd.s32 @!p0 s3, s7;
	s7 =	simm.s32 @!p0 $0x108  }
0x21: {  	s3 =	sadd.s32 s3, s9;
	s6 =	sadd.s32 @!p0 $0x88, s6;
	s7 =	simm.s32 @p2 $0x1082  }
0x22: {  	[simem:s7], [sflag:s8] =	dma.local @!p0 [hbm:s6], $0xF7A  }
0x23: {  	s9 =	sor.u32 $0xD0000000, s2;
	s6 =	simm.s32 $0x108;
	_ =	swait.ge @!p0 [sflag:s8], $0x0  }
0x24: {  	s3 =	sadd.s32 $0x88, s3;
	s6 =	simm.s32 @!p1 $0x1082;
	[sflag:s4] =	ssyncset.s32 $0xFFFFF086  }
0x25: {  	[simem:s6], [sflag:s4] =	dma.local [hbm:s3], $0xF7A  }
0x26: {  	[smem:$0x3F93] =	sst s1;
	(tag) =	ssettag s2;
	_ =	strace s9  }
0x27: {  	s1 =	sld [smem:$0x3FA3]  }
0x28: {  	s2 =	sld [smem:$0x3FA4]  }
0x29: {  	s4 =	sld [smem:$0x3FA6]  }
0x2a: {  	p0 =	seq.s32 s5, $0x0;
	s5 =	sld [smem:$0x3FA7]  }
0x2b: {  	s6 =	sld [smem:$0x3FA8]  }
0x2c: {  	s7 =	sld [smem:$0x3FA9]  }
0x2d: {  	s3 =	simm.s32 $0x108;
	s8 =	sld [smem:$0x3FAA]  }
0x2e: {  	s3 =	simm.s32 @!p0 $0x1082;
	s9 =	sld [smem:$0x3FAB]  }
0x2f: {  	lr =	sadd.s32 s0, s3;
	s0 =	sld [smem:$0x3FA2]  }
0x30: {  	s3 =	sld [smem:$0x3FA5]  }
0x31: {  	[smem:$0x3FAE] =	sst s10  }
0x32: {  	s10 =	sld [smem:$0x3FAC];
	_ =	sdelay $0x3  }
0x33: {  	p0 =	seq.s32 s10, $0x1;
	s10 =	sld [smem:$0x3FAE];
	_ =	sdelay $0x3  }
0x34: {  	[smem:$0x3FAE] =	sst s10  }
0x35: {  	s10 =	sld [smem:$0x3FAD];
	_ =	sdelay $0x3  }
0x36: {  	p1 =	seq.s32 s10, $0x1;
	s10 =	sld [smem:$0x3FAE];
	_ =	sdelay $0x3  }
0x37: {  	[smem:$0x3FAE] =	sst s10  }
0x38: {  	s10 =	sld [smem:$0x3FAF]  }
0x39: {  	_ = 	snop;
	(pc) =	sbr.ind lr, $3  }
0x3a: {  	_ = 	snop  }
0x3b: {  	_ = 	snop  }
0x3c: {  	p2 =	seq.s32 s10, $0x1;
	s10 =	sld [smem:$0x3FAE]  }
0x3d: {  	_ =	shalt  }
0x3e: {  	_ =	shalt  }
0x3f: {  	_ =	shalt  }
0x40: {  	_ =	shalt  }
0x41: {  	_ =	shalt  }
0x42: {  	_ =	shalt  }
0x43: {  	_ =	shalt  }
0x44: {  	_ =	shalt  }
0x45: {  	_ =	shalt  }
0x46: {  	_ =	shalt  }
0x47: {  	_ =	shalt  }
0x48: {  	_ =	shalt  }
0x49: {  	_ =	shalt  }
0x4a: {  	_ =	shalt  }
0x4b: {  	_ =	shalt  }
0x4c: {  	_ =	shalt  }
0x4d: {  	_ =	shalt  }
0x4e: {  	_ =	shalt  }
0x4f: {  	_ =	shalt  }
0x50: {  	_ =	shalt  }
0x51: {  	_ =	shalt  }
0x52: {  	_ =	shalt  }
0x53: {  	_ =	shalt  }
0x54: {  	_ =	shalt  }
0x55: {  	_ =	shalt  }
0x56: {  	_ =	shalt  }
0x57: {  	_ =	shalt  }
0x58: {  	_ =	shalt  }
0x59: {  	_ =	shalt  }
0x5a: {  	_ =	shalt  }
0x5b: {  	_ =	shalt  }
0x5c: {  	_ =	shalt  }
0x5d: {  	_ =	shalt  }
0x5e: {  	_ =	shalt  }
0x5f: {  	_ =	shalt  }
0x60: {  	_ =	shalt  }
0x61: {  	_ =	shalt  }
0x62: {  	_ =	shalt  }
0x63: {  	_ =	shalt  }
0x64: {  	_ =	shalt  }
0x65: {  	_ =	shalt  }
0x66: {  	_ =	shalt  }
0x67: {  	_ =	shalt  }
0x68: {  	_ =	shalt  }
0x69: {  	_ =	shalt  }
0x6a: {  	_ =	shalt  }
0x6b: {  	_ =	shalt  }
0x6c: {  	_ =	shalt  }
0x6d: {  	_ =	shalt  }
0x6e: {  	_ =	shalt  }
0x6f: {  	_ =	shalt  }
0x70: {  	_ =	shalt  }
0x71: {  	_ =	shalt  }
0x72: {  	_ =	shalt  }
0x73: {  	_ =	shalt  }
0x74: {  	_ =	shalt  }
0x75: {  	_ =	shalt  }
0x76: {  	_ =	shalt  }
0x77: {  	_ =	shalt  }
0x78: {  	_ =	shalt  }
0x79: {  	_ =	shalt  }
0x7a: {  	_ =	shalt  }
0x7b: {  	_ =	shalt  }
0x7c: {  	_ =	shalt  }
0x7d: {  	_ =	shalt  }
0x7e: {  	_ =	shalt  }
0x7f: {  	_ =	shalt  }
0x80: {  	_ =	shalt  }
0x81: {  	_ =	shalt  }
0x82: {  	_ =	shalt  }
0x83: {  	_ =	shalt  }
0x84: {  	_ =	shalt  }
0x85: {  	_ =	shalt  }
0x86: {  	_ =	shalt  }
0x87: {  	_ =	shalt  }
.Lfunc_end0:
.L_simem_size_0:
called_computation_lowered:
.L_overlay_start_0:
0x88: {  	s2 =	sld [smem:$0x3FD9]  }
0x89: {  	s3 =	sld [smem:$0x3FFE];
	_ =	sdelay $0x1  }
0x8a: {  	s1 =	srdreg.scid  }
0x8b: {  	s0 =	sand.u32 $0x1, s1  }
0x8c: {  	s16 =	sshll.u32 s0, $0xA;
	s2 =	sadd.s32 s3, s2  }
0x8d: {  	s2 =	sadd.s32 s2, s16  }
0x8e: {  	[smem:$0x3FBA] =	sst s2  }
0x8f: {  	_ = 	snop  }
0x90: {  	(tm) =	ssettm $0x1  }
0x91: {  	s17 =	sld [smem:$0x3FFB];
	_ =	sdelay $0x3  }
0x92: {  	_ =	strace s17  }
0x93: {  	s2 =	sld [smem:$0x3FFC];
	_ =	sdelay $0x3  }
0x94: {  	_ =	strace s2  }
0x95: {  	s2 =	sld [smem:$0x3FFD];
	_ =	sdelay $0x3  }
0x96: {  	_ =	strace s2  }
0x97: {  	_ =	strace $0x8FFFFFFF  }
0x98: {  	s18 =	sld [smem:$0x3FDB];
	_ =	sdelay $0x1  }
0x99: {  	s19 =	simm.s32 $_scs_section_size  }
0x9a: {  	s4 =	simm.s32 $_size__tile_overlayer_lowered;
	s5 =	simm.s32 $_tile_overlayer_lowered  }
0x9b: {  	s22 =	simm.s32 $0x1BFF;
	s21 =	sshll.u32 s5, $0x1;
	s2 =	sadd.s32 s19, s18  }
0x9c: {  	s6 =	simm.s32 $0x0;
	s20 =	sshll.u32 s4, $0x1;
	s4 =	sadd.s32 s21, s2  }
0x9d: {  	[timem:s6], [sflag:s22] =	dma.local [hbm:s4], s20  }
0x9e: {  	_ =	swait.ge [sflag:s22], s20  }
0x9f: {  	s3 =	ssub.s32 $0x0, s20;
	[sflag:s22] =	ssyncset.done $0x0  }
0xa0: {  	[sflag:s22] =	ssyncadd.s32 s3;
	_ =	sdelay $0x1  }
0xa1: {  	s23 =	simm.s32 $0x1B8B  }
0xa2: {  	_ =	swait.ge [sflag:s23], $0x1  }
0xa3: {  	[sflag:s23] =	ssyncset.done $0x0  }
0xa4: {  	s25 =	simm.s32 $0x1B8E;
	s24 =	sld [smem:$0x3FFE];
	[sflag:s23] =	ssyncadd.s32 $0xFFFFFFFF  }
0xa5: {  	s26 =	simm.s32 $execute0_lowered;
	[smem:$0x3FD2] =	sst s25  }
0xa6: {  	s4 =	sshll.u32 s26, $0x1;
	_ =	strace $0x80000046;
	[dreg:$0x1] =	wrdreg $0xFFFFFFFF  }
0xa7: {  	s28 =	simm.s32 $_size_execute0_lowered;
	s2 =	sadd.s32 s2, s4;
	[dreg:$0x0] =	wrdreg $0x0  }
0xa8: {  	s4 =	sshll.u32 s28, $0x1;
	[dreg:$0x2] =	wrdreg s2  }
0xa9: {  	[dreg:$0x3] =	wrdreg s4  }
0xaa: {  	[dreg:$0x4] =	wrdreg $0xC0  }
0xab: {  	_ =	task [dreg:s6], $0x5FFFF  }
0xac: {  	[dreg:$0x1] =	wrdreg $0xFFFFFFFF  }
0xad: {  	[dreg:$0x0] =	wrdreg $0x60  }
0xae: {  	[dreg:$0x2] =	wrdreg s24  }
0xaf: {  	[dreg:$0x3] =	wrdreg $0xD200  }
0xb0: {  	[dreg:$0x4] =	wrdreg $0x9  }
0xb1: {  	_ =	task.clear_ibuf [dreg:s6], $0x5FFFF;
	_ =	strace $0x90000046  }
0xb2: {  	s29 =	simm.s32 $0x9;
	_ =	strace $0x80000048  }
0xb3: {  	_ =	swait.ge [sflag:s29], $0x1  }
0xb4: {  	[sflag:s29] =	ssyncadd.s32 $0xFFFFFFFF  }
0xb5: {  	_ =	strace $0x90000048  }
0xb6: {  	_ =	sfence  }
0xb7: {  	s30 =	sld [smem:$0x0];
	_ =	sdelay $0x2  }
0xb8: {  	s31 =	sshll.u32 s1, $0xD;
	s1 =	sshrl.u32 s1, $0x2  }
0xb9: {  	s3 =	sand.u32 $0x4000, s31;
	s1 =	sadd.s32 s1, s30  }
0xba: {  	s0 =	sor.u32 s3, s0;
	s1 =	sshll.u32 s1, $0x11  }
0xbb: {  	s0 =	sor.u32 s1, s0  }
0xbc: {  	s0 =	sadd.s32 $0x8F2B, s0  }
0xbd: {  	[sflag:s0] =	ssyncadd.remote.s32 $0x1  }
0xbe: {  	_ =	sfence.sel $0xFFFF  }
0xbf: {  	[dreg:$0x0] =	wrdreg $0xFFFFFFFF;
	(pc) =	sbr.abs _section_cstart, $3  }
0xc0: {  	[dreg:$0x1] =	wrdreg $0xFFFFFFFF  }
0xc1: {  	_ =	task.clear_ibuf [dreg:s6], $0x2FFFF;
	_ =	strace $0x9FFFFFFF  }
0xc2: {  	(tm) =	ssettm $0x7FFFFFFF  }
0xc3: {  	_ =	shalt  }
tec
execute0_lowered:
.L_overlay_start_1:
0x0: {  	(tag) =	ssettag $0x1  }
0x1: {  	s1 =	srdreg.scid;
	s4 =	rddreg [dreg:$0x0]  }
0x2: {  	s0 =	stileid.u32;
	s2 =	rddreg [dreg:$0x1]  }
0x3: {  	s3 =	simm.s32 $0x0;
	s13 =	simm.s32 $0x1;
	s6 =	smul.u32 $0x4E20, s0  }
0x4: {  	s14 =	simm.s32 $0x50;
	s17 =	simm.s32 $0x0;
	s8 =	smul.u32 $0x2710, s0  }
0x5: {  	s5 =	sand.u32 $0x1, s1;
	s1 =	rddreg [dreg:$0x2];
	s9 =	smul.u32 $0x9C40, s0  }
0x6: {  	[smem:$0x7FF] =	sst s3;
	s15 =	sshll.u32 s0, $0x6;
	s7 =	smul.u32 $0x2710, s5  }
0x7: {  	s29 =	smul.u32 $0x27100, s5;
	_ =	strace $0x80000047;
	s5 =	ssub.s32 $0x2, s5  }
0x8: {  	s15 =	sor.u32 $0x1C01, s15;
	s31 =	sshrl.u32 s5, $0x1;
	s9 =	sshrl.u32 s9, $0x2  }
0x9: {  	s6 =	sadd.s32 s7, s6;
	s30 =	sadd.s32 s8, s29;
	s9 =	sadd.s32 s9, s2  }
0xa: {  	s12 =	ssub.s32 s5, s31;
	s6 =	sshrl.u32 s6, $0x3;
	s5 =	sadd.s32 $0x7D0, s9  }
0xb: {  	s7 =	sadd.s32 $0x1770, s9;
	s11 =	sadd.s32 s6, s4;
	s6 =	sshrl.u32 s30, $0x3  }
0xc: {  	s10 =	sadd.s32 s6, s4;
	s4 =	sadd.s32 s8, s2;
	s6 =	sadd.s32 $0xFA0, s9  }
0xd: {  	s8 =	sadd.s32 $0x1F40, s9;
	s11 =	sadd.s32 $0xCA00, s11;
	s9 =	sadd.s32 $0x16800, s10  }
0xe: {  	v0 =	vimm.f32 $1.000000000e+00;
	v1 =	vimm.f32 $0.0e+00;
	s10 =	smax.u32 s12, $0x1;
	s12 =	simm.s32 $0x550;
	s16 =	sshrl.u32 s4, $0x3  }
.LBB2_1:
0xf: {  	s18 =	simm.s32 $0x0  }
.LBB2_2:
0x10: {  	p0 =	sne.s32 s18, $0x13C0  }
.Ltmp0:
0x11: {  	_ = 	snop;
	(pc) =	sbr.rel @p0 .LBB2_2-.Ltmp0, $3  }
0x12: {  	_ =	sdelay $0x1  }
0x13: {  	s19 =	sshra.s32 s18, $0x2  }
0x14: {  	s18 =	sadd.s32 $0x40, s18;
	[tilespmem:s19+$0x50] =	vst v0  }
0x15: {  	s18 =	simm.s32 $0x40;
	s19 =	simm.s32 $0x0  }
.LBB2_4:
0x16: {  	p0 =	sne.s32 s18, $0x1F00;
	[tilespmem:s19+$0x550] =	vst v1;
	s19 =	smov.u32 s18;
	s18 =	sadd.s32 $0x40, s18  }
.Ltmp1:
0x17: {  	(pc) =	sbr.rel @p0 .LBB2_4-.Ltmp1, $2  }
0x18: {  	_ =	sdelay $0x2  }
0x19: {  	s19 =	sshra.s32 s19, $0x2  }
0x1a: {  	[tilespmem:s19+$0x550] =	vst v1  }
0x1b: {  	[spmem:s4] =	stream.linear.scatter [tilespmem:s12], [sflag:$0x1], $0x7D0, $0x38;
	[tilespmem:$0x3430] =	vst v63  }
0x1c: {  	_ =	swait.ge [sflag:s13], $0x7D0  }
0x1d: {  	[sflag:s13] =	ssyncset.done $0x0  }
0x1e: {  	[sflag:s13] =	ssyncadd.s32 $0xFFFFF830  }
0x1f: {  	[spmem:s5] =	stream.linear.scatter [tilespmem:s12], [sflag:$0x1], $0x7D0, $0x38;
	[tilespmem:$0x3430] =	vst v63  }
0x20: {  	_ =	swait.ge [sflag:s13], $0x7D0  }
0x21: {  	[sflag:s13] =	ssyncset.done $0x0  }
0x22: {  	[sflag:s13] =	ssyncadd.s32 $0xFFFFF830  }
0x23: {  	[spmem:s6] =	stream.linear.scatter [tilespmem:s12], [sflag:$0x1], $0x7D0, $0x38;
	[tilespmem:$0x3430] =	vst v63  }
0x24: {  	_ =	swait.ge [sflag:s13], $0x7D0  }
0x25: {  	[sflag:s13] =	ssyncset.done $0x0  }
0x26: {  	[sflag:s13] =	ssyncadd.s32 $0xFFFFF830  }
0x27: {  	[spmem:s7] =	stream.linear.scatter [tilespmem:s12], [sflag:$0x1], $0x7D0, $0x38;
	[tilespmem:$0x3430] =	vst v63  }
0x28: {  	_ =	swait.ge [sflag:s13], $0x7D0  }
0x29: {  	[sflag:s13] =	ssyncset.done $0x0  }
0x2a: {  	[sflag:s13] =	ssyncadd.s32 $0xFFFFF830  }
0x2b: {  	[spmem:s8] =	stream.linear.scatter [tilespmem:s12], [sflag:$0x1], $0x7D0, $0x38;
	[tilespmem:$0x3430] =	vst v63  }
0x2c: {  	_ =	swait.ge [sflag:s13], $0x7D0  }
0x2d: {  	[sflag:s13] =	ssyncset.done $0x0  }
0x2e: {  	[sflag:s13] =	ssyncadd.s32 $0xFFFFF830  }
0x2f: {  	s18 =	sadd.s32 $0x0, s11;
	[bflag:$0x0] =	sbarrier.arrive $0xFFFF  }
0x30: {  	[tilespmem:s3], [sflag:$0x1] =	stream.linear.gather [hbm4b:s18+s3], $0x50, $0x38;
	[tilespmem:$0x3430] =	vst v63  }
0x31: {  	_ =	swait.ge [sflag:s13], $0x50  }
0x32: {  	[sflag:s13] =	ssyncset.done $0x0  }
0x33: {  	[sflag:s13] =	ssyncadd.s32 $0xFFFFFFB0  }
0x34: {  	[spmem:s2] =	stream.indirect.scatter.add.f32 [tilespmem:s14], [sflag:$0x1], $0x10, s3, s14, $0xb8;
	[tilespmem:$0x3430] =	vst v63  }
0x35: {  	_ =	swait.ge [sflag:s13], $0x500  }
0x36: {  	s19 =	simm.s32 $0x14;
	s18 =	simm.s32 $0xA;
	[sflag:s13] =	ssyncset.done $0x0  }
.LBB2_6:
0x37: {  	s20 =	sadd.s32 s18, s11  }
0x38: {  	[sflag:s13] =	ssyncadd.s32 $0xFFFFFB00;
	s18 =	smov.u32 s19;
	s21 =	sadd.s32 $0xA, s19  }
0x39: {  	[tilespmem:s3], [sflag:$0x1] =	stream.linear.gather [hbm4b:s20+s3], $0x50, $0x38;
	[tilespmem:$0x3430] =	vst v63  }
0x3a: {  	p0 =	sne.s32 s19, $0x4D8;
	_ =	swait.ge [sflag:s13], $0x50  }
.Ltmp2:
0x3b: {  	[sflag:s13] =	ssyncset.done $0x0;
	(pc) =	sbr.rel @p0 .LBB2_6-.Ltmp2, $4  }
0x3c: {  	[sflag:s13] =	ssyncadd.s32 $0xFFFFFFB0  }
0x3d: {  	[spmem:s2] =	stream.indirect.scatter.add.f32 [tilespmem:s14], [sflag:$0x1], $0x10, s3, s14, $0xb8;
	[tilespmem:$0x3430] =	vst v63  }
0x3e: {  	_ =	swait.ge [sflag:s13], $0x500  }
0x3f: {  	s19 =	smov.u32 s21;
	[sflag:s13] =	ssyncset.done $0x0  }
0x40: {  	s18 =	sadd.s32 s18, s11;
	[sflag:s13] =	ssyncadd.s32 $0xFFFFFB00  }
0x41: {  	[tilespmem:s3], [sflag:$0x1] =	stream.linear.gather [hbm4b:s18+s3], $0x50, $0x38;
	[tilespmem:$0x3430] =	vst v63  }
0x42: {  	_ =	swait.ge [sflag:s13], $0x50  }
0x43: {  	[sflag:s13] =	ssyncset.done $0x0  }
0x44: {  	[sflag:s13] =	ssyncadd.s32 $0xFFFFFFB0  }
0x45: {  	[spmem:s2] =	stream.indirect.scatter.add.f32 [tilespmem:s14], [sflag:$0x1], $0x10, s3, s14, $0xb8;
	[tilespmem:$0x3430] =	vst v63  }
0x46: {  	_ =	swait.ge [sflag:s13], $0x500  }
0x47: {  	s17 =	sadd.s32 $0x1, s17;
	[sflag:s13] =	ssyncset.done $0x0  }
0x48: {  	p0 =	sne.s32 s17, s10;
	[sflag:s13] =	ssyncadd.s32 $0xFFFFFB00  }
.Ltmp3:
0x49: {  	[bflag:$0x0] =	sbarrier.arrive $0xFFFF;
	(pc) =	sbr.rel @p0 .LBB2_1-.Ltmp3, $4  }
0x4a: {  	[hbm:s9], [sflag:s15] =	dma.local [spmem:s16], $0x4E2  }
0x4b: {  	_ =	swait.ge [sflag:s13], $0x4E2  }
0x4c: {  	[sflag:s13] =	ssyncset.done $0x0  }
0x4d: {  	[sflag:s13] =	ssyncadd.s32 $0xFFFFFB1E  }
0x4e: {  	_ =	sfence.sel $0x180000  }
0x4f: {  	[bflag:$0x0] =	sbarrier.arrive $0xFFFF  }
0x50: {  	p0 =	sne.s32 s0, $0x0;
	_ =	strace $0x90000047  }
0x51: {  	s0 =	sadd.s32 @!p0 $0x100000, s1;
	[bflag:$0x2] =	sbarrier.arrive $0xFFFF  }
0x52: {  	[sflag:s0] =	ssyncadd.tile.s32 @!p0 $0x1;
	_ =	shalt  }
.Lfunc_end2:
_tile_overlayer_lowered:
.L_overlay_start_2:
0x53: {  	(tag) =	ssettag $0x2  }
0x54: {  	s0 =	rddreg [dreg:$0x0];
	s2 =	stileid.u32  }
0x55: {  	s1 =	rddreg [dreg:$0x1];
	p0 =	sne.s32 s2, $0x0  }
0x56: {  	s3 =	rddreg [dreg:$0x2];
	[bflag:$0x3] =	sbarrier.arrive $0xFFFF;
	s2 =	simm.s32 @!p0 $0x1C01  }
0x57: {  	[timem:s3], [sflag:s2] =	dma.local @!p0 [hbm:s0], s1  }
0x58: {  	s0 =	simm.s32 @!p0 $0x1  }
0x59: {  	_ =	swait.ge @!p0 [sflag:s0], s1  }
0x5a: {  	s1 =	ssub.s32 @!p0 $0x0, s1;
	[sflag:s0] =	ssyncset.done @!p0 $0x0  }
0x5b: {  	[sflag:s0] =	ssyncadd.s32 @!p0 s1  }
0x5c: {  	[bflag:$0x3] =	sbarrier.arrive $0xFFFF  }
0x5d: {  	_ =	shalt  }

// kernel: kernel.14.cloned.1.call-start
scs
__scs_entry_jumppad:
0x0: {  	(pc) =	sbr.rel $0x88, $3  }
0x1: {  	(tag) =	ssettag $0x0;
	lr =	simm.s32 $0x1  }
0x2: {  	[smem:$0x3F93] =	sst lr;
	_ =	strace $0xD0000000  }
0x3: {  	_ = 	snop  }
0x4: {  	_ = 	snop  }
0x5: {  	_ = 	snop  }
0x6: {  	_ = 	snop  }
0x7: {  	_ = 	snop  }
__scs_overlays_trampoline_lowered:
0x8: {  	[smem:$0x3FA2] =	sst s0  }
0x9: {  	[smem:$0x3FA3] =	sst s1  }
0xa: {  	[smem:$0x3FA4] =	sst s2  }
0xb: {  	[smem:$0x3FA5] =	sst s3  }
0xc: {  	[smem:$0x3FA6] =	sst s4  }
0xd: {  	[smem:$0x3FA7] =	sst s5  }
0xe: {  	[smem:$0x3FA8] =	sst s6  }
0xf: {  	[smem:$0x3FA9] =	sst s7  }
0x10: {  	[smem:$0x3FAA] =	sst s8  }
0x11: {  	[smem:$0x3FAB] =	sst s9;
	s0 =	simm.s32 @!p0 $0x0  }
0x12: {  	s1 =	sld [smem:$0x3F91];
	s0 =	simm.s32 @p0 $0x1  }
0x13: {  	[smem:$0x3FAC] =	sst s0;
	s0 =	simm.s32 @!p1 $0x0  }
0x14: {  	s2 =	sld [smem:$0x3F90];
	s0 =	simm.s32 @p1 $0x1  }
0x15: {  	[smem:$0x3FAD] =	sst s0;
	s0 =	simm.s32 @!p2 $0x0  }
0x16: {  	s3 =	sld [smem:$0x3FDB];
	s0 =	simm.s32 @p2 $0x1  }
0x17: {  	s4 =	simm.s32 $0x1BF5;
	[smem:$0x3FAF] =	sst s0  }
0x18: {  	s0 =	sld [smem:$0x3F92];
	_ =	swait.ge [sflag:s4], $0x0  }
0x19: {  	s7 =	sld [smem:$0x3F93]  }
0x1a: {  	s8 =	sadd.s32 $0xFFFFE003, lr  }
0x1b: {  	s9 =	sadd.s32 $0xFFFFFEF7, lr;
	s5 =	simm.s32 $0xFFFFFFFF;
	p2 =	slt.u32 s8, $0xFFFFF086  }
0x1c: {  	p1 =	slt.u32 s9, $0xF7A;
	s5 =	simm.s32 @!p2 $0x0  }
0x1d: {  	s5 =	simm.s32 @p1 $0x1;
	p0 =	seq.s32 s7, s2  }
0x1e: {  	s7 =	smul.u32 @!p0 $0xF7A, s2;
	p2 =	seq.s32 @!p0 s5, $0x0  }
0x1f: {  	s9 =	smul.u32 $0xF7A, s1;
	s8 =	simm.s32 @!p0 $0x1BF5;
	p2 =	por !p2, p0  }
0x20: {  	[sflag:s8] =	ssyncset.s32 @!p0 $0xFFFFF086;
	s6 =	sadd.s32 @!p0 s3, s7;
	s7 =	simm.s32 @!p0 $0x108  }
0x21: {  	s3 =	sadd.s32 s3, s9;
	s6 =	sadd.s32 @!p0 $0x88, s6;
	s7 =	simm.s32 @p2 $0x1082  }
0x22: {  	[simem:s7], [sflag:s8] =	dma.local @!p0 [hbm:s6], $0xF7A  }
0x23: {  	s9 =	sor.u32 $0xD0000000, s2;
	s6 =	simm.s32 $0x108;
	_ =	swait.ge @!p0 [sflag:s8], $0x0  }
0x24: {  	s3 =	sadd.s32 $0x88, s3;
	s6 =	simm.s32 @!p1 $0x1082;
	[sflag:s4] =	ssyncset.s32 $0xFFFFF086  }
0x25: {  	[simem:s6], [sflag:s4] =	dma.local [hbm:s3], $0xF7A  }
0x26: {  	[smem:$0x3F93] =	sst s1;
	(tag) =	ssettag s2;
	_ =	strace s9  }
0x27: {  	s1 =	sld [smem:$0x3FA3]  }
0x28: {  	s2 =	sld [smem:$0x3FA4]  }
0x29: {  	s4 =	sld [smem:$0x3FA6]  }
0x2a: {  	p0 =	seq.s32 s5, $0x0;
	s5 =	sld [smem:$0x3FA7]  }
0x2b: {  	s6 =	sld [smem:$0x3FA8]  }
0x2c: {  	s7 =	sld [smem:$0x3FA9]  }
0x2d: {  	s3 =	simm.s32 $0x108;
	s8 =	sld [smem:$0x3FAA]  }
0x2e: {  	s3 =	simm.s32 @!p0 $0x1082;
	s9 =	sld [smem:$0x3FAB]  }
0x2f: {  	lr =	sadd.s32 s0, s3;
	s0 =	sld [smem:$0x3FA2]  }
0x30: {  	s3 =	sld [smem:$0x3FA5]  }
0x31: {  	[smem:$0x3FAE] =	sst s10  }
0x32: {  	s10 =	sld [smem:$0x3FAC];
	_ =	sdelay $0x3  }
0x33: {  	p0 =	seq.s32 s10, $0x1;
	s10 =	sld [smem:$0x3FAE];
	_ =	sdelay $0x3  }
0x34: {  	[smem:$0x3FAE] =	sst s10  }
0x35: {  	s10 =	sld [smem:$0x3FAD];
	_ =	sdelay $0x3  }
0x36: {  	p1 =	seq.s32 s10, $0x1;
	s10 =	sld [smem:$0x3FAE];
	_ =	sdelay $0x3  }
0x37: {  	[smem:$0x3FAE] =	sst s10  }
0x38: {  	s10 =	sld [smem:$0x3FAF]  }
0x39: {  	_ = 	snop;
	(pc) =	sbr.ind lr, $3  }
0x3a: {  	_ = 	snop  }
0x3b: {  	_ = 	snop  }
0x3c: {  	p2 =	seq.s32 s10, $0x1;
	s10 =	sld [smem:$0x3FAE]  }
0x3d: {  	_ =	shalt  }
0x3e: {  	_ =	shalt  }
0x3f: {  	_ =	shalt  }
0x40: {  	_ =	shalt  }
0x41: {  	_ =	shalt  }
0x42: {  	_ =	shalt  }
0x43: {  	_ =	shalt  }
0x44: {  	_ =	shalt  }
0x45: {  	_ =	shalt  }
0x46: {  	_ =	shalt  }
0x47: {  	_ =	shalt  }
0x48: {  	_ =	shalt  }
0x49: {  	_ =	shalt  }
0x4a: {  	_ =	shalt  }
0x4b: {  	_ =	shalt  }
0x4c: {  	_ =	shalt  }
0x4d: {  	_ =	shalt  }
0x4e: {  	_ =	shalt  }
0x4f: {  	_ =	shalt  }
0x50: {  	_ =	shalt  }
0x51: {  	_ =	shalt  }
0x52: {  	_ =	shalt  }
0x53: {  	_ =	shalt  }
0x54: {  	_ =	shalt  }
0x55: {  	_ =	shalt  }
0x56: {  	_ =	shalt  }
0x57: {  	_ =	shalt  }
0x58: {  	_ =	shalt  }
0x59: {  	_ =	shalt  }
0x5a: {  	_ =	shalt  }
0x5b: {  	_ =	shalt  }
0x5c: {  	_ =	shalt  }
0x5d: {  	_ =	shalt  }
0x5e: {  	_ =	shalt  }
0x5f: {  	_ =	shalt  }
0x60: {  	_ =	shalt  }
0x61: {  	_ =	shalt  }
0x62: {  	_ =	shalt  }
0x63: {  	_ =	shalt  }
0x64: {  	_ =	shalt  }
0x65: {  	_ =	shalt  }
0x66: {  	_ =	shalt  }
0x67: {  	_ =	shalt  }
0x68: {  	_ =	shalt  }
0x69: {  	_ =	shalt  }
0x6a: {  	_ =	shalt  }
0x6b: {  	_ =	shalt  }
0x6c: {  	_ =	shalt  }
0x6d: {  	_ =	shalt  }
0x6e: {  	_ =	shalt  }
0x6f: {  	_ =	shalt  }
0x70: {  	_ =	shalt  }
0x71: {  	_ =	shalt  }
0x72: {  	_ =	shalt  }
0x73: {  	_ =	shalt  }
0x74: {  	_ =	shalt  }
0x75: {  	_ =	shalt  }
0x76: {  	_ =	shalt  }
0x77: {  	_ =	shalt  }
0x78: {  	_ =	shalt  }
0x79: {  	_ =	shalt  }
0x7a: {  	_ =	shalt  }
0x7b: {  	_ =	shalt  }
0x7c: {  	_ =	shalt  }
0x7d: {  	_ =	shalt  }
0x7e: {  	_ =	shalt  }
0x7f: {  	_ =	shalt  }
0x80: {  	_ =	shalt  }
0x81: {  	_ =	shalt  }
0x82: {  	_ =	shalt  }
0x83: {  	_ =	shalt  }
0x84: {  	_ =	shalt  }
0x85: {  	_ =	shalt  }
0x86: {  	_ =	shalt  }
0x87: {  	_ =	shalt  }
.Lfunc_end0:
.L_simem_size_0:
called_computation.1_lowered:
.L_overlay_start_0:
0x88: {  	s2 =	sld [smem:$0x3FD9]  }
0x89: {  	s3 =	sld [smem:$0x3FFE];
	_ =	sdelay $0x1  }
0x8a: {  	s1 =	srdreg.scid  }
0x8b: {  	s0 =	sand.u32 $0x1, s1  }
0x8c: {  	s16 =	sshll.u32 s0, $0xA;
	s2 =	sadd.s32 s3, s2  }
0x8d: {  	s2 =	sadd.s32 s2, s16  }
0x8e: {  	[smem:$0x3FBA] =	sst s2  }
0x8f: {  	_ = 	snop  }
0x90: {  	(tm) =	ssettm $0x1  }
0x91: {  	s17 =	sld [smem:$0x3FFB];
	_ =	sdelay $0x3  }
0x92: {  	_ =	strace s17  }
0x93: {  	s2 =	sld [smem:$0x3FFC];
	_ =	sdelay $0x3  }
0x94: {  	_ =	strace s2  }
0x95: {  	s2 =	sld [smem:$0x3FFD];
	_ =	sdelay $0x3  }
0x96: {  	_ =	strace s2  }
0x97: {  	_ =	strace $0x8FFFFFFF  }
0x98: {  	s18 =	sld [smem:$0x3FDB];
	_ =	sdelay $0x1  }
0x99: {  	s19 =	simm.s32 $_scs_section_size  }
0x9a: {  	s4 =	simm.s32 $_size__tile_overlayer_lowered;
	s5 =	simm.s32 $_tile_overlayer_lowered  }
0x9b: {  	s22 =	simm.s32 $0x1BFF;
	s21 =	sshll.u32 s5, $0x1;
	s2 =	sadd.s32 s19, s18  }
0x9c: {  	s6 =	simm.s32 $0x0;
	s20 =	sshll.u32 s4, $0x1;
	s4 =	sadd.s32 s21, s2  }
0x9d: {  	[timem:s6], [sflag:s22] =	dma.local [hbm:s4], s20  }
0x9e: {  	_ =	swait.ge [sflag:s22], s20  }
0x9f: {  	s3 =	ssub.s32 $0x0, s20;
	[sflag:s22] =	ssyncset.done $0x0  }
0xa0: {  	[sflag:s22] =	ssyncadd.s32 s3;
	_ =	sdelay $0x1  }
0xa1: {  	s23 =	simm.s32 $0x1B8B  }
0xa2: {  	_ =	swait.ge [sflag:s23], $0x1  }
0xa3: {  	[sflag:s23] =	ssyncset.done $0x0  }
0xa4: {  	s25 =	simm.s32 $0x1B8E;
	s24 =	sld [smem:$0x3FFE];
	[sflag:s23] =	ssyncadd.s32 $0xFFFFFFFF  }
0xa5: {  	s26 =	simm.s32 $execute0_lowered;
	[smem:$0x3FD2] =	sst s25  }
0xa6: {  	s4 =	sshll.u32 s26, $0x1;
	_ =	strace $0x80000049;
	[dreg:$0x1] =	wrdreg $0xFFFFFFFF  }
0xa7: {  	s28 =	simm.s32 $_size_execute0_lowered;
	s2 =	sadd.s32 s2, s4;
	[dreg:$0x0] =	wrdreg $0x0  }
0xa8: {  	s4 =	sshll.u32 s28, $0x1;
	[dreg:$0x2] =	wrdreg s2  }
0xa9: {  	[dreg:$0x3] =	wrdreg s4  }
0xaa: {  	[dreg:$0x4] =	wrdreg $0xC0  }
0xab: {  	_ =	task [dreg:s6], $0x5FFFF  }
0xac: {  	[dreg:$0x1] =	wrdreg $0xFFFFFFFF  }
0xad: {  	[dreg:$0x0] =	wrdreg $0x60  }
0xae: {  	[dreg:$0x2] =	wrdreg s24  }
0xaf: {  	[dreg:$0x3] =	wrdreg $0x33E00  }
0xb0: {  	[dreg:$0x4] =	wrdreg $0x9  }
0xb1: {  	_ =	task.clear_ibuf [dreg:s6], $0x5FFFF;
	_ =	strace $0x90000049  }
0xb2: {  	s29 =	simm.s32 $0x9;
	_ =	strace $0x8000004B  }
0xb3: {  	_ =	swait.ge [sflag:s29], $0x1  }
0xb4: {  	[sflag:s29] =	ssyncadd.s32 $0xFFFFFFFF  }
0xb5: {  	_ =	strace $0x9000004B  }
0xb6: {  	_ =	sfence  }
0xb7: {  	s30 =	sld [smem:$0x0];
	_ =	sdelay $0x2  }
0xb8: {  	s31 =	sshll.u32 s1, $0xD;
	s1 =	sshrl.u32 s1, $0x2  }
0xb9: {  	s3 =	sand.u32 $0x4000, s31;
	s1 =	sadd.s32 s1, s30  }
0xba: {  	s0 =	sor.u32 s3, s0;
	s1 =	sshll.u32 s1, $0x11  }
0xbb: {  	s0 =	sor.u32 s1, s0  }
0xbc: {  	s0 =	sadd.s32 $0x8F2B, s0  }
0xbd: {  	[sflag:s0] =	ssyncadd.remote.s32 $0x1  }
0xbe: {  	_ =	sfence.sel $0xFFFF  }
0xbf: {  	[dreg:$0x0] =	wrdreg $0xFFFFFFFF;
	(pc) =	sbr.abs _section_cstart, $3  }
0xc0: {  	[dreg:$0x1] =	wrdreg $0xFFFFFFFF  }
0xc1: {  	_ =	task.clear_ibuf [dreg:s6], $0x2FFFF;
	_ =	strace $0x9FFFFFFF  }
0xc2: {  	(tm) =	ssettm $0x7FFFFFFF  }
0xc3: {  	_ =	shalt  }
tec
execute0_lowered:
.L_overlay_start_1:
0x0: {  	(tag) =	ssettag $0x1  }
0x1: {  	s1 =	srdreg.scid;
	s5 =	rddreg [dreg:$0x0]  }
0x2: {  	s0 =	stileid.u32;
	s2 =	rddreg [dreg:$0x1]  }
0x3: {  	s3 =	simm.s32 $0x0;
	s14 =	simm.s32 $0x14A0;
	s15 =	simm.s32 $0x2  }
0x4: {  	s16 =	simm.s32 $0x50;
	s17 =	simm.s32 $0xA0;
	s4 =	smul.u32 $0x4E20, s0  }
0x5: {  	s18 =	simm.s32 $0x1;
	s20 =	simm.s32 $0x0;
	s8 =	smul.u32 $0x9C40, s0  }
0x6: {  	s6 =	sand.u32 $0x1, s1;
	s1 =	rddreg [dreg:$0x2];
	s10 =	smul.u32 $0x27100, s0  }
0x7: {  	[smem:$0x7FF] =	sst s3;
	s19 =	sshll.u32 s0, $0x6;
	s7 =	smul.u32 $0x2710, s6  }
0x8: {  	s28 =	smul.u32 $0x9C400, s6;
	_ =	strace $0x8000004A;
	s6 =	ssub.s32 $0x2, s6  }
0x9: {  	s19 =	sor.u32 $0x1C02, s19;
	s29 =	sshrl.u32 s10, $0x2;
	s31 =	sshrl.u32 s6, $0x1  }
0xa: {  	s4 =	sadd.s32 s7, s4;
	s7 =	sadd.s32 s8, s28;
	s11 =	ssub.s32 s6, s31  }
0xb: {  	s9 =	sshrl.u32 s4, $0x3;
	s4 =	sadd.s32 $0x16800, s5;
	s7 =	sshrl.u32 s7, $0x3  }
0xc: {  	s11 =	smax.u32 s11, $0x1;
	s13 =	sadd.s32 s9, s5;
	s9 =	sadd.s32 s29, s2  }
0xd: {  	s30 =	sadd.s32 s7, s5;
	s5 =	sadd.s32 s8, s2;
	s6 =	sadd.s32 $0x1F40, s9  }
0xe: {  	s7 =	sadd.s32 $0x3E80, s9;
	s8 =	sadd.s32 $0x5DC0, s9;
	s9 =	sadd.s32 $0x7D00, s9  }
0xf: {  	v0 =	vimm.f32 $0.0e+00;
	s10 =	sadd.s32 $0x2A200, s30;
	s12 =	sadd.s32 $0xCA00, s13;
	s13 =	sadd.s32 $0x2C00, s13  }
.LBB2_1:
0x10: {  	s22 =	simm.s32 $0x100;
	s21 =	simm.s32 $0x0  }
.LBB2_2:
0x11: {  	p0 =	sne.s32 s22, $0x7C00;
	[tilespmem:s21+$0x14D0] =	vst v0;
	s23 =	smov.u32 s22;
	s22 =	sadd.s32 $0x100, s22  }
.Ltmp0:
0x12: {  	[tilespmem:s21+$0x14C0] =	vst v0;
	(pc) =	sbr.rel @p0 .LBB2_2-.Ltmp0, $3  }
0x13: {  	[tilespmem:s21+$0x14A0] =	vst v0  }
0x14: {  	[tilespmem:s21+$0x14B0] =	vst v0;
	_ =	sdelay $0x1  }
0x15: {  	s21 =	sshra.s32 s23, $0x2  }
0x16: {  	[tilespmem:s21+$0x14D0] =	vst v0  }
0x17: {  	[tilespmem:s21+$0x14C0] =	vst v0  }
0x18: {  	[tilespmem:s21+$0x14A0] =	vst v0  }
0x19: {  	[tilespmem:s21+$0x14B0] =	vst v0  }
0x1a: {  	[spmem:s5] =	stream.linear.scatter [tilespmem:s14], [sflag:$0x2], $0x1F40, $0x38;
	[tilespmem:$0xD020] =	vst v63  }
0x1b: {  	_ =	swait.ge [sflag:s15], $0x1F40  }
0x1c: {  	[sflag:s15] =	ssyncset.done $0x0  }
0x1d: {  	[sflag:s15] =	ssyncadd.s32 $0xFFFFE0C0  }
0x1e: {  	[spmem:s6] =	stream.linear.scatter [tilespmem:s14], [sflag:$0x2], $0x1F40, $0x38;
	[tilespmem:$0xD020] =	vst v63  }
0x1f: {  	_ =	swait.ge [sflag:s15], $0x1F40  }
0x20: {  	[sflag:s15] =	ssyncset.done $0x0  }
0x21: {  	[sflag:s15] =	ssyncadd.s32 $0xFFFFE0C0  }
0x22: {  	[spmem:s7] =	stream.linear.scatter [tilespmem:s14], [sflag:$0x2], $0x1F40, $0x38;
	[tilespmem:$0xD020] =	vst v63  }
0x23: {  	_ =	swait.ge [sflag:s15], $0x1F40  }
0x24: {  	[sflag:s15] =	ssyncset.done $0x0  }
0x25: {  	[sflag:s15] =	ssyncadd.s32 $0xFFFFE0C0  }
0x26: {  	[spmem:s8] =	stream.linear.scatter [tilespmem:s14], [sflag:$0x2], $0x1F40, $0x38;
	[tilespmem:$0xD020] =	vst v63  }
0x27: {  	_ =	swait.ge [sflag:s15], $0x1F40  }
0x28: {  	[sflag:s15] =	ssyncset.done $0x0  }
0x29: {  	[sflag:s15] =	ssyncadd.s32 $0xFFFFE0C0  }
0x2a: {  	[spmem:s9] =	stream.linear.scatter [tilespmem:s14], [sflag:$0x2], $0x1F40, $0x38;
	[tilespmem:$0xD020] =	vst v63  }
0x2b: {  	_ =	swait.ge [sflag:s15], $0x1F40  }
0x2c: {  	[sflag:s15] =	ssyncset.done $0x0  }
0x2d: {  	[sflag:s15] =	ssyncadd.s32 $0xFFFFE0C0  }
0x2e: {  	s30 =	sadd.s32 $0x0, s13;
	[bflag:$0x0] =	sbarrier.arrive $0xFFFF  }
0x2f: {  	[tilespmem:s3], [sflag:$0x2] =	stream.linear.gather [hbm4b:s30+s3], $0x50, $0x38;
	[tilespmem:$0xD020] =	vst v63  }
0x30: {  	_ =	swait.ge [sflag:s15], $0x50  }
0x31: {  	[sflag:s15] =	ssyncset.done $0x0  }
0x32: {  	s31 =	sadd.s32 $0x0, s12;
	[sflag:s15] =	ssyncadd.s32 $0xFFFFFFB0  }
0x33: {  	[tilespmem:s16], [sflag:$0x2] =	stream.linear.gather [hbm4b:s31+s3], $0x50, $0x38;
	[tilespmem:$0xD020] =	vst v63  }
0x34: {  	_ =	swait.ge [sflag:s15], $0x50  }
0x35: {  	[sflag:s15] =	ssyncset.done $0x0  }
0x36: {  	[sflag:s15] =	ssyncadd.s32 $0xFFFFFFB0  }
0x37: {  	[tilespmem:s17], [sflag:$0x1] =	stream.indirect.gather [hbm4b:s4+s16], $0x40, s3, s16, $0xb8;
	[tilespmem:$0xD020] =	vst v63  }
0x38: {  	_ =	swait.ge [sflag:s18], $0x1400  }
0x39: {  	[sflag:s18] =	ssyncset.done $0x0  }
0x3a: {  	[sflag:s18] =	ssyncadd.s32 $0xFFFFEC00  }
0x3b: {  	[spmem:s2] =	stream.indirect.scatter.add.f32 [tilespmem:s17], [sflag:$0x2], $0x40, s16, s16, $0xb8;
	[tilespmem:$0xD020] =	vst v63  }
0x3c: {  	_ =	swait.ge [sflag:s15], $0x1400  }
0x3d: {  	s21 =	simm.s32 $0xA;
	s22 =	simm.s32 $0x14;
	[sflag:s15] =	ssyncset.done $0x0  }
.LBB2_4:
0x3e: {  	s23 =	sadd.s32 s21, s13  }
0x3f: {  	[sflag:s15] =	ssyncadd.s32 $0xFFFFEC00;
	s24 =	smov.u32 s22;
	s25 =	sadd.s32 $0xA, s22  }
0x40: {  	[tilespmem:s3], [sflag:$0x2] =	stream.linear.gather [hbm4b:s23+s3], $0x50, $0x38;
	[tilespmem:$0xD020] =	vst v63  }
0x41: {  	p0 =	sne.s32 s22, $0x4D8;
	_ =	swait.ge [sflag:s15], $0x50  }
0x42: {  	[sflag:s15] =	ssyncset.done $0x0  }
0x43: {  	s22 =	sadd.s32 s21, s12;
	s21 =	smov.u32 s24;
	[sflag:s15] =	ssyncadd.s32 $0xFFFFFFB0  }
0x44: {  	[tilespmem:s16], [sflag:$0x2] =	stream.linear.gather [hbm4b:s22+s3], $0x50, $0x38;
	[tilespmem:$0xD020] =	vst v63  }
0x45: {  	_ =	swait.ge [sflag:s15], $0x50  }
0x46: {  	[sflag:s15] =	ssyncset.done $0x0  }
0x47: {  	[sflag:s15] =	ssyncadd.s32 $0xFFFFFFB0  }
0x48: {  	[tilespmem:s17], [sflag:$0x1] =	stream.indirect.gather [hbm4b:s4+s16], $0x40, s3, s16, $0xb8;
	[tilespmem:$0xD020] =	vst v63  }
0x49: {  	_ =	swait.ge [sflag:s18], $0x1400  }
.Ltmp1:
0x4a: {  	[sflag:s18] =	ssyncset.done $0x0;
	(pc) =	sbr.rel @p0 .LBB2_4-.Ltmp1, $4  }
0x4b: {  	[sflag:s18] =	ssyncadd.s32 $0xFFFFEC00  }
0x4c: {  	[spmem:s2] =	stream.indirect.scatter.add.f32 [tilespmem:s17], [sflag:$0x2], $0x40, s16, s16, $0xb8;
	[tilespmem:$0xD020] =	vst v63  }
0x4d: {  	_ =	swait.ge [sflag:s15], $0x1400  }
0x4e: {  	s22 =	smov.u32 s25;
	[sflag:s15] =	ssyncset.done $0x0  }
0x4f: {  	s22 =	sadd.s32 s21, s13;
	[sflag:s15] =	ssyncadd.s32 $0xFFFFEC00  }
0x50: {  	[tilespmem:s3], [sflag:$0x2] =	stream.linear.gather [hbm4b:s22+s3], $0x50, $0x38;
	[tilespmem:$0xD020] =	vst v63  }
0x51: {  	_ =	swait.ge [sflag:s15], $0x50  }
0x52: {  	[sflag:s15] =	ssyncset.done $0x0  }
0x53: {  	s30 =	sadd.s32 s21, s12;
	[sflag:s15] =	ssyncadd.s32 $0xFFFFFFB0  }
0x54: {  	[tilespmem:s16], [sflag:$0x2] =	stream.linear.gather [hbm4b:s30+s3], $0x50, $0x38;
	[tilespmem:$0xD020] =	vst v63  }
0x55: {  	_ =	swait.ge [sflag:s15], $0x50  }
0x56: {  	[sflag:s15] =	ssyncset.done $0x0  }
0x57: {  	[sflag:s15] =	ssyncadd.s32 $0xFFFFFFB0  }
0x58: {  	[tilespmem:s17], [sflag:$0x1] =	stream.indirect.gather [hbm4b:s4+s16], $0x40, s3, s16, $0xb8;
	[tilespmem:$0xD020] =	vst v63  }
0x59: {  	_ =	swait.ge [sflag:s18], $0x1400  }
0x5a: {  	[sflag:s18] =	ssyncset.done $0x0  }
0x5b: {  	[sflag:s18] =	ssyncadd.s32 $0xFFFFEC00  }
0x5c: {  	[spmem:s2] =	stream.indirect.scatter.add.f32 [tilespmem:s17], [sflag:$0x2], $0x40, s16, s16, $0xb8;
	[tilespmem:$0xD020] =	vst v63  }
0x5d: {  	_ =	swait.ge [sflag:s15], $0x1400  }
0x5e: {  	s20 =	sadd.s32 $0x1, s20;
	[sflag:s15] =	ssyncset.done $0x0  }
0x5f: {  	p0 =	sne.s32 s20, s11;
	[sflag:s15] =	ssyncadd.s32 $0xFFFFEC00  }
.Ltmp2:
0x60: {  	s31 =	sshrl.u32 s5, $0x3;
	[bflag:$0x0] =	sbarrier.arrive $0xFFFF;
	(pc) =	sbr.rel @p0 .LBB2_1-.Ltmp2, $4  }
0x61: {  	[hbm:s10], [sflag:s19] =	dma.local [spmem:s31], $0x1388  }
0x62: {  	_ =	swait.ge [sflag:s15], $0x1388  }
0x63: {  	[sflag:s15] =	ssyncset.done $0x0  }
0x64: {  	[sflag:s15] =	ssyncadd.s32 $0xFFFFEC78  }
0x65: {  	_ =	sfence.sel $0x180000  }
0x66: {  	[bflag:$0x0] =	sbarrier.arrive $0xFFFF  }
0x67: {  	p0 =	sne.s32 s0, $0x0;
	_ =	strace $0x9000004A  }
0x68: {  	s0 =	sadd.s32 @!p0 $0x100000, s1;
	[bflag:$0x2] =	sbarrier.arrive $0xFFFF  }
0x69: {  	[sflag:s0] =	ssyncadd.tile.s32 @!p0 $0x1;
	_ =	shalt  }
.Lfunc_end2:
_tile_overlayer_lowered:
.L_overlay_start_2:
0x6a: {  	(tag) =	ssettag $0x2  }
0x6b: {  	s0 =	rddreg [dreg:$0x0];
	s2 =	stileid.u32  }
0x6c: {  	s1 =	rddreg [dreg:$0x1];
	p0 =	sne.s32 s2, $0x0  }
0x6d: {  	s3 =	rddreg [dreg:$0x2];
	[bflag:$0x3] =	sbarrier.arrive $0xFFFF;
	s2 =	simm.s32 @!p0 $0x1C02  }
0x6e: {  	[timem:s3], [sflag:s2] =	dma.local @!p0 [hbm:s0], s1  }
0x6f: {  	s0 =	simm.s32 @!p0 $0x2  }
0x70: {  	_ =	swait.ge @!p0 [sflag:s0], s1  }
0x71: {  	s1 =	ssub.s32 @!p0 $0x0, s1;
	[sflag:s0] =	ssyncset.done @!p0 $0x0  }
0x72: {  	[sflag:s0] =	ssyncadd.s32 @!p0 s1  }
0x73: {  	[bflag:$0x3] =	sbarrier.arrive $0xFFFF  }
0x74: {  	_ =	shalt  }

// kernel: kernel.17.cloned.1.call-start
scs
__scs_entry_jumppad:
0x0: {  	(pc) =	sbr.rel $0x88, $3  }
0x1: {  	(tag) =	ssettag $0x0;
	lr =	simm.s32 $0x1  }
0x2: {  	[smem:$0x3F93] =	sst lr;
	_ =	strace $0xD0000000  }
0x3: {  	_ = 	snop  }
0x4: {  	_ = 	snop  }
0x5: {  	_ = 	snop  }
0x6: {  	_ = 	snop  }
0x7: {  	_ = 	snop  }
__scs_overlays_trampoline_lowered:
0x8: {  	[smem:$0x3FA2] =	sst s0  }
0x9: {  	[smem:$0x3FA3] =	sst s1  }
0xa: {  	[smem:$0x3FA4] =	sst s2  }
0xb: {  	[smem:$0x3FA5] =	sst s3  }
0xc: {  	[smem:$0x3FA6] =	sst s4  }
0xd: {  	[smem:$0x3FA7] =	sst s5  }
0xe: {  	[smem:$0x3FA8] =	sst s6  }
0xf: {  	[smem:$0x3FA9] =	sst s7  }
0x10: {  	[smem:$0x3FAA] =	sst s8  }
0x11: {  	[smem:$0x3FAB] =	sst s9;
	s0 =	simm.s32 @!p0 $0x0  }
0x12: {  	s1 =	sld [smem:$0x3F91];
	s0 =	simm.s32 @p0 $0x1  }
0x13: {  	[smem:$0x3FAC] =	sst s0;
	s0 =	simm.s32 @!p1 $0x0  }
0x14: {  	s2 =	sld [smem:$0x3F90];
	s0 =	simm.s32 @p1 $0x1  }
0x15: {  	[smem:$0x3FAD] =	sst s0;
	s0 =	simm.s32 @!p2 $0x0  }
0x16: {  	s3 =	sld [smem:$0x3FDB];
	s0 =	simm.s32 @p2 $0x1  }
0x17: {  	s4 =	simm.s32 $0x1BF5;
	[smem:$0x3FAF] =	sst s0  }
0x18: {  	s0 =	sld [smem:$0x3F92];
	_ =	swait.ge [sflag:s4], $0x0  }
0x19: {  	s7 =	sld [smem:$0x3F93]  }
0x1a: {  	s8 =	sadd.s32 $0xFFFFE003, lr  }
0x1b: {  	s9 =	sadd.s32 $0xFFFFFEF7, lr;
	s5 =	simm.s32 $0xFFFFFFFF;
	p2 =	slt.u32 s8, $0xFFFFF086  }
0x1c: {  	p1 =	slt.u32 s9, $0xF7A;
	s5 =	simm.s32 @!p2 $0x0  }
0x1d: {  	s5 =	simm.s32 @p1 $0x1;
	p0 =	seq.s32 s7, s2  }
0x1e: {  	s7 =	smul.u32 @!p0 $0xF7A, s2;
	p2 =	seq.s32 @!p0 s5, $0x0  }
0x1f: {  	s9 =	smul.u32 $0xF7A, s1;
	s8 =	simm.s32 @!p0 $0x1BF5;
	p2 =	por !p2, p0  }
0x20: {  	[sflag:s8] =	ssyncset.s32 @!p0 $0xFFFFF086;
	s6 =	sadd.s32 @!p0 s3, s7;
	s7 =	simm.s32 @!p0 $0x108  }
0x21: {  	s3 =	sadd.s32 s3, s9;
	s6 =	sadd.s32 @!p0 $0x88, s6;
	s7 =	simm.s32 @p2 $0x1082  }
0x22: {  	[simem:s7], [sflag:s8] =	dma.local @!p0 [hbm:s6], $0xF7A  }
0x23: {  	s9 =	sor.u32 $0xD0000000, s2;
	s6 =	simm.s32 $0x108;
	_ =	swait.ge @!p0 [sflag:s8], $0x0  }
0x24: {  	s3 =	sadd.s32 $0x88, s3;
	s6 =	simm.s32 @!p1 $0x1082;
	[sflag:s4] =	ssyncset.s32 $0xFFFFF086  }
0x25: {  	[simem:s6], [sflag:s4] =	dma.local [hbm:s3], $0xF7A  }
0x26: {  	[smem:$0x3F93] =	sst s1;
	(tag) =	ssettag s2;
	_ =	strace s9  }
0x27: {  	s1 =	sld [smem:$0x3FA3]  }
0x28: {  	s2 =	sld [smem:$0x3FA4]  }
0x29: {  	s4 =	sld [smem:$0x3FA6]  }
0x2a: {  	p0 =	seq.s32 s5, $0x0;
	s5 =	sld [smem:$0x3FA7]  }
0x2b: {  	s6 =	sld [smem:$0x3FA8]  }
0x2c: {  	s7 =	sld [smem:$0x3FA9]  }
0x2d: {  	s3 =	simm.s32 $0x108;
	s8 =	sld [smem:$0x3FAA]  }
0x2e: {  	s3 =	simm.s32 @!p0 $0x1082;
	s9 =	sld [smem:$0x3FAB]  }
0x2f: {  	lr =	sadd.s32 s0, s3;
	s0 =	sld [smem:$0x3FA2]  }
0x30: {  	s3 =	sld [smem:$0x3FA5]  }
0x31: {  	[smem:$0x3FAE] =	sst s10  }
0x32: {  	s10 =	sld [smem:$0x3FAC];
	_ =	sdelay $0x3  }
0x33: {  	p0 =	seq.s32 s10, $0x1;
	s10 =	sld [smem:$0x3FAE];
	_ =	sdelay $0x3  }
0x34: {  	[smem:$0x3FAE] =	sst s10  }
0x35: {  	s10 =	sld [smem:$0x3FAD];
	_ =	sdelay $0x3  }
0x36: {  	p1 =	seq.s32 s10, $0x1;
	s10 =	sld [smem:$0x3FAE];
	_ =	sdelay $0x3  }
0x37: {  	[smem:$0x3FAE] =	sst s10  }
0x38: {  	s10 =	sld [smem:$0x3FAF]  }
0x39: {  	_ = 	snop;
	(pc) =	sbr.ind lr, $3  }
0x3a: {  	_ = 	snop  }
0x3b: {  	_ = 	snop  }
0x3c: {  	p2 =	seq.s32 s10, $0x1;
	s10 =	sld [smem:$0x3FAE]  }
0x3d: {  	_ =	shalt  }
0x3e: {  	_ =	shalt  }
0x3f: {  	_ =	shalt  }
0x40: {  	_ =	shalt  }
0x41: {  	_ =	shalt  }
0x42: {  	_ =	shalt  }
0x43: {  	_ =	shalt  }
0x44: {  	_ =	shalt  }
0x45: {  	_ =	shalt  }
0x46: {  	_ =	shalt  }
0x47: {  	_ =	shalt  }
0x48: {  	_ =	shalt  }
0x49: {  	_ =	shalt  }
0x4a: {  	_ =	shalt  }
0x4b: {  	_ =	shalt  }
0x4c: {  	_ =	shalt  }
0x4d: {  	_ =	shalt  }
0x4e: {  	_ =	shalt  }
0x4f: {  	_ =	shalt  }
0x50: {  	_ =	shalt  }
0x51: {  	_ =	shalt  }
0x52: {  	_ =	shalt  }
0x53: {  	_ =	shalt  }
0x54: {  	_ =	shalt  }
0x55: {  	_ =	shalt  }
0x56: {  	_ =	shalt  }
0x57: {  	_ =	shalt  }
0x58: {  	_ =	shalt  }
0x59: {  	_ =	shalt  }
0x5a: {  	_ =	shalt  }
0x5b: {  	_ =	shalt  }
0x5c: {  	_ =	shalt  }
0x5d: {  	_ =	shalt  }
0x5e: {  	_ =	shalt  }
0x5f: {  	_ =	shalt  }
0x60: {  	_ =	shalt  }
0x61: {  	_ =	shalt  }
0x62: {  	_ =	shalt  }
0x63: {  	_ =	shalt  }
0x64: {  	_ =	shalt  }
0x65: {  	_ =	shalt  }
0x66: {  	_ =	shalt  }
0x67: {  	_ =	shalt  }
0x68: {  	_ =	shalt  }
0x69: {  	_ =	shalt  }
0x6a: {  	_ =	shalt  }
0x6b: {  	_ =	shalt  }
0x6c: {  	_ =	shalt  }
0x6d: {  	_ =	shalt  }
0x6e: {  	_ =	shalt  }
0x6f: {  	_ =	shalt  }
0x70: {  	_ =	shalt  }
0x71: {  	_ =	shalt  }
0x72: {  	_ =	shalt  }
0x73: {  	_ =	shalt  }
0x74: {  	_ =	shalt  }
0x75: {  	_ =	shalt  }
0x76: {  	_ =	shalt  }
0x77: {  	_ =	shalt  }
0x78: {  	_ =	shalt  }
0x79: {  	_ =	shalt  }
0x7a: {  	_ =	shalt  }
0x7b: {  	_ =	shalt  }
0x7c: {  	_ =	shalt  }
0x7d: {  	_ =	shalt  }
0x7e: {  	_ =	shalt  }
0x7f: {  	_ =	shalt  }
0x80: {  	_ =	shalt  }
0x81: {  	_ =	shalt  }
0x82: {  	_ =	shalt  }
0x83: {  	_ =	shalt  }
0x84: {  	_ =	shalt  }
0x85: {  	_ =	shalt  }
0x86: {  	_ =	shalt  }
0x87: {  	_ =	shalt  }
.Lfunc_end0:
.L_simem_size_0:
called_computation.2_lowered:
.L_overlay_start_0:
0x88: {  	s2 =	sld [smem:$0x3FD9]  }
0x89: {  	s3 =	sld [smem:$0x3FFE];
	_ =	sdelay $0x1  }
0x8a: {  	s1 =	srdreg.scid  }
0x8b: {  	s0 =	sand.u32 $0x1, s1  }
0x8c: {  	s16 =	sshll.u32 s0, $0xA;
	s2 =	sadd.s32 s3, s2  }
0x8d: {  	s2 =	sadd.s32 s2, s16  }
0x8e: {  	[smem:$0x3FBA] =	sst s2  }
0x8f: {  	_ = 	snop  }
0x90: {  	(tm) =	ssettm $0x1  }
0x91: {  	s17 =	sld [smem:$0x3FFB];
	_ =	sdelay $0x3  }
0x92: {  	_ =	strace s17  }
0x93: {  	s2 =	sld [smem:$0x3FFC];
	_ =	sdelay $0x3  }
0x94: {  	_ =	strace s2  }
0x95: {  	s2 =	sld [smem:$0x3FFD];
	_ =	sdelay $0x3  }
0x96: {  	_ =	strace s2  }
0x97: {  	_ =	strace $0x8FFFFFFF  }
0x98: {  	s18 =	sld [smem:$0x3FDB];
	_ =	sdelay $0x1  }
0x99: {  	s19 =	simm.s32 $_scs_section_size  }
0x9a: {  	s4 =	simm.s32 $_size__tile_overlayer_lowered;
	s5 =	simm.s32 $_tile_overlayer_lowered  }
0x9b: {  	s22 =	simm.s32 $0x1BFF;
	s21 =	sshll.u32 s5, $0x1;
	s2 =	sadd.s32 s19, s18  }
0x9c: {  	s6 =	simm.s32 $0x0;
	s20 =	sshll.u32 s4, $0x1;
	s4 =	sadd.s32 s21, s2  }
0x9d: {  	[timem:s6], [sflag:s22] =	dma.local [hbm:s4], s20  }
0x9e: {  	_ =	swait.ge [sflag:s22], s20  }
0x9f: {  	s3 =	ssub.s32 $0x0, s20;
	[sflag:s22] =	ssyncset.done $0x0  }
0xa0: {  	[sflag:s22] =	ssyncadd.s32 s3;
	_ =	sdelay $0x1  }
0xa1: {  	s23 =	simm.s32 $0x1B8B  }
0xa2: {  	_ =	swait.ge [sflag:s23], $0x1  }
0xa3: {  	[sflag:s23] =	ssyncset.done $0x0  }
0xa4: {  	s25 =	simm.s32 $0x1B8E;
	s24 =	sld [smem:$0x3FFE];
	[sflag:s23] =	ssyncadd.s32 $0xFFFFFFFF  }
0xa5: {  	s26 =	simm.s32 $execute0_lowered;
	[smem:$0x3FD2] =	sst s25  }
0xa6: {  	s4 =	sshll.u32 s26, $0x1;
	_ =	strace $0x8000004C;
	[dreg:$0x1] =	wrdreg $0xFFFFFFFF  }
0xa7: {  	s28 =	simm.s32 $_size_execute0_lowered;
	s2 =	sadd.s32 s2, s4;
	[dreg:$0x0] =	wrdreg $0x0  }
0xa8: {  	s4 =	sshll.u32 s28, $0x1;
	[dreg:$0x2] =	wrdreg s2  }
0xa9: {  	[dreg:$0x3] =	wrdreg s4  }
0xaa: {  	[dreg:$0x4] =	wrdreg $0xC0  }
0xab: {  	_ =	task [dreg:s6], $0x5FFFF  }
0xac: {  	[dreg:$0x1] =	wrdreg $0xFFFFFFFF  }
0xad: {  	[dreg:$0x0] =	wrdreg $0x60  }
0xae: {  	[dreg:$0x2] =	wrdreg s24  }
0xaf: {  	[dreg:$0x3] =	wrdreg $0x33E00  }
0xb0: {  	[dreg:$0x4] =	wrdreg $0x9  }
0xb1: {  	_ =	task.clear_ibuf [dreg:s6], $0x5FFFF;
	_ =	strace $0x9000004C  }
0xb2: {  	s29 =	simm.s32 $0x9;
	_ =	strace $0x8000004E  }
0xb3: {  	_ =	swait.ge [sflag:s29], $0x1  }
0xb4: {  	[sflag:s29] =	ssyncadd.s32 $0xFFFFFFFF  }
0xb5: {  	_ =	strace $0x9000004E  }
0xb6: {  	_ =	sfence  }
0xb7: {  	s30 =	sld [smem:$0x0];
	_ =	sdelay $0x2  }
0xb8: {  	s31 =	sshll.u32 s1, $0xD;
	s1 =	sshrl.u32 s1, $0x2  }
0xb9: {  	s3 =	sand.u32 $0x4000, s31;
	s1 =	sadd.s32 s1, s30  }
0xba: {  	s0 =	sor.u32 s3, s0;
	s1 =	sshll.u32 s1, $0x11  }
0xbb: {  	s0 =	sor.u32 s1, s0  }
0xbc: {  	s0 =	sadd.s32 $0x8F2B, s0  }
0xbd: {  	[sflag:s0] =	ssyncadd.remote.s32 $0x1  }
0xbe: {  	_ =	sfence.sel $0xFFFF  }
0xbf: {  	[dreg:$0x0] =	wrdreg $0xFFFFFFFF;
	(pc) =	sbr.abs _section_cstart, $3  }
0xc0: {  	[dreg:$0x1] =	wrdreg $0xFFFFFFFF  }
0xc1: {  	_ =	task.clear_ibuf [dreg:s6], $0x2FFFF;
	_ =	strace $0x9FFFFFFF  }
0xc2: {  	(tm) =	ssettm $0x7FFFFFFF  }
0xc3: {  	_ =	shalt  }
tec
execute0_lowered:
.L_overlay_start_1:
0x0: {  	(tag) =	ssettag $0x1  }
0x1: {  	s1 =	srdreg.scid;
	s5 =	rddreg [dreg:$0x0]  }
0x2: {  	s0 =	stileid.u32;
	s2 =	rddreg [dreg:$0x1]  }
0x3: {  	s3 =	simm.s32 $0x0;
	s14 =	simm.s32 $0x14A0;
	s15 =	simm.s32 $0x2  }
0x4: {  	s16 =	simm.s32 $0x50;
	s17 =	simm.s32 $0xA0;
	s4 =	smul.u32 $0x4E20, s0  }
0x5: {  	s18 =	simm.s32 $0x1;
	s20 =	simm.s32 $0x0;
	s8 =	smul.u32 $0x9C40, s0  }
0x6: {  	s6 =	sand.u32 $0x1, s1;
	s1 =	rddreg [dreg:$0x2];
	s10 =	smul.u32 $0x27100, s0  }
0x7: {  	[smem:$0x7FF] =	sst s3;
	s19 =	sshll.u32 s0, $0x6;
	s7 =	smul.u32 $0x2710, s6  }
0x8: {  	s28 =	smul.u32 $0x9C400, s6;
	_ =	strace $0x8000004D;
	s6 =	ssub.s32 $0x2, s6  }
0x9: {  	s19 =	sor.u32 $0x1C02, s19;
	s29 =	sshrl.u32 s10, $0x2;
	s31 =	sshrl.u32 s6, $0x1  }
0xa: {  	s4 =	sadd.s32 s7, s4;
	s7 =	sadd.s32 s8, s28;
	s11 =	ssub.s32 s6, s31  }
0xb: {  	s9 =	sshrl.u32 s4, $0x3;
	s4 =	sadd.s32 $0x16800, s5;
	s7 =	sshrl.u32 s7, $0x3  }
0xc: {  	s11 =	smax.u32 s11, $0x1;
	s13 =	sadd.s32 s9, s5;
	s9 =	sadd.s32 s29, s2  }
0xd: {  	s30 =	sadd.s32 s7, s5;
	s5 =	sadd.s32 s8, s2;
	s6 =	sadd.s32 $0x1F40, s9  }
0xe: {  	s7 =	sadd.s32 $0x3E80, s9;
	s8 =	sadd.s32 $0x5DC0, s9;
	s9 =	sadd.s32 $0x7D00, s9  }
0xf: {  	v0 =	vimm.f32 $0.0e+00;
	s10 =	sadd.s32 $0x2A200, s30;
	s12 =	sadd.s32 $0xCA00, s13;
	s13 =	sadd.s32 $0x2C00, s13  }
.LBB2_1:
0x10: {  	s22 =	simm.s32 $0x100;
	s21 =	simm.s32 $0x0  }
.LBB2_2:
0x11: {  	p0 =	sne.s32 s22, $0x7C00;
	[tilespmem:s21+$0x14D0] =	vst v0;
	s23 =	smov.u32 s22;
	s22 =	sadd.s32 $0x100, s22  }
.Ltmp0:
0x12: {  	[tilespmem:s21+$0x14C0] =	vst v0;
	(pc) =	sbr.rel @p0 .LBB2_2-.Ltmp0, $3  }
0x13: {  	[tilespmem:s21+$0x14A0] =	vst v0  }
0x14: {  	[tilespmem:s21+$0x14B0] =	vst v0;
	_ =	sdelay $0x1  }
0x15: {  	s21 =	sshra.s32 s23, $0x2  }
0x16: {  	[tilespmem:s21+$0x14D0] =	vst v0  }
0x17: {  	[tilespmem:s21+$0x14C0] =	vst v0  }
0x18: {  	[tilespmem:s21+$0x14A0] =	vst v0  }
0x19: {  	[tilespmem:s21+$0x14B0] =	vst v0  }
0x1a: {  	[spmem:s5] =	stream.linear.scatter [tilespmem:s14], [sflag:$0x2], $0x1F40, $0x38;
	[tilespmem:$0xD020] =	vst v63  }
0x1b: {  	_ =	swait.ge [sflag:s15], $0x1F40  }
0x1c: {  	[sflag:s15] =	ssyncset.done $0x0  }
0x1d: {  	[sflag:s15] =	ssyncadd.s32 $0xFFFFE0C0  }
0x1e: {  	[spmem:s6] =	stream.linear.scatter [tilespmem:s14], [sflag:$0x2], $0x1F40, $0x38;
	[tilespmem:$0xD020] =	vst v63  }
0x1f: {  	_ =	swait.ge [sflag:s15], $0x1F40  }
0x20: {  	[sflag:s15] =	ssyncset.done $0x0  }
0x21: {  	[sflag:s15] =	ssyncadd.s32 $0xFFFFE0C0  }
0x22: {  	[spmem:s7] =	stream.linear.scatter [tilespmem:s14], [sflag:$0x2], $0x1F40, $0x38;
	[tilespmem:$0xD020] =	vst v63  }
0x23: {  	_ =	swait.ge [sflag:s15], $0x1F40  }
0x24: {  	[sflag:s15] =	ssyncset.done $0x0  }
0x25: {  	[sflag:s15] =	ssyncadd.s32 $0xFFFFE0C0  }
0x26: {  	[spmem:s8] =	stream.linear.scatter [tilespmem:s14], [sflag:$0x2], $0x1F40, $0x38;
	[tilespmem:$0xD020] =	vst v63  }
0x27: {  	_ =	swait.ge [sflag:s15], $0x1F40  }
0x28: {  	[sflag:s15] =	ssyncset.done $0x0  }
0x29: {  	[sflag:s15] =	ssyncadd.s32 $0xFFFFE0C0  }
0x2a: {  	[spmem:s9] =	stream.linear.scatter [tilespmem:s14], [sflag:$0x2], $0x1F40, $0x38;
	[tilespmem:$0xD020] =	vst v63  }
0x2b: {  	_ =	swait.ge [sflag:s15], $0x1F40  }
0x2c: {  	[sflag:s15] =	ssyncset.done $0x0  }
0x2d: {  	[sflag:s15] =	ssyncadd.s32 $0xFFFFE0C0  }
0x2e: {  	s30 =	sadd.s32 $0x0, s13;
	[bflag:$0x0] =	sbarrier.arrive $0xFFFF  }
0x2f: {  	[tilespmem:s3], [sflag:$0x2] =	stream.linear.gather [hbm4b:s30+s3], $0x50, $0x38;
	[tilespmem:$0xD020] =	vst v63  }
0x30: {  	_ =	swait.ge [sflag:s15], $0x50  }
0x31: {  	[sflag:s15] =	ssyncset.done $0x0  }
0x32: {  	s31 =	sadd.s32 $0x0, s12;
	[sflag:s15] =	ssyncadd.s32 $0xFFFFFFB0  }
0x33: {  	[tilespmem:s16], [sflag:$0x2] =	stream.linear.gather [hbm4b:s31+s3], $0x50, $0x38;
	[tilespmem:$0xD020] =	vst v63  }
0x34: {  	_ =	swait.ge [sflag:s15], $0x50  }
0x35: {  	[sflag:s15] =	ssyncset.done $0x0  }
0x36: {  	[sflag:s15] =	ssyncadd.s32 $0xFFFFFFB0  }
0x37: {  	[tilespmem:s17], [sflag:$0x1] =	stream.indirect.gather [hbm4b:s4+s16], $0x40, s3, s16, $0xb8;
	[tilespmem:$0xD020] =	vst v63  }
0x38: {  	_ =	swait.ge [sflag:s18], $0x1400  }
0x39: {  	[sflag:s18] =	ssyncset.done $0x0  }
0x3a: {  	[sflag:s18] =	ssyncadd.s32 $0xFFFFEC00  }
0x3b: {  	[spmem:s2] =	stream.indirect.scatter.add.f32 [tilespmem:s17], [sflag:$0x2], $0x40, s16, s16, $0xb8;
	[tilespmem:$0xD020] =	vst v63  }
0x3c: {  	_ =	swait.ge [sflag:s15], $0x1400  }
0x3d: {  	s21 =	simm.s32 $0xA;
	s22 =	simm.s32 $0x14;
	[sflag:s15] =	ssyncset.done $0x0  }
.LBB2_4:
0x3e: {  	s23 =	sadd.s32 s21, s13  }
0x3f: {  	[sflag:s15] =	ssyncadd.s32 $0xFFFFEC00;
	s24 =	smov.u32 s22;
	s25 =	sadd.s32 $0xA, s22  }
0x40: {  	[tilespmem:s3], [sflag:$0x2] =	stream.linear.gather [hbm4b:s23+s3], $0x50, $0x38;
	[tilespmem:$0xD020] =	vst v63  }
0x41: {  	p0 =	sne.s32 s22, $0x4D8;
	_ =	swait.ge [sflag:s15], $0x50  }
0x42: {  	[sflag:s15] =	ssyncset.done $0x0  }
0x43: {  	s22 =	sadd.s32 s21, s12;
	s21 =	smov.u32 s24;
	[sflag:s15] =	ssyncadd.s32 $0xFFFFFFB0  }
0x44: {  	[tilespmem:s16], [sflag:$0x2] =	stream.linear.gather [hbm4b:s22+s3], $0x50, $0x38;
	[tilespmem:$0xD020] =	vst v63  }
0x45: {  	_ =	swait.ge [sflag:s15], $0x50  }
0x46: {  	[sflag:s15] =	ssyncset.done $0x0  }
0x47: {  	[sflag:s15] =	ssyncadd.s32 $0xFFFFFFB0  }
0x48: {  	[tilespmem:s17], [sflag:$0x1] =	stream.indirect.gather [hbm4b:s4+s16], $0x40, s3, s16, $0xb8;
	[tilespmem:$0xD020] =	vst v63  }
0x49: {  	_ =	swait.ge [sflag:s18], $0x1400  }
.Ltmp1:
0x4a: {  	[sflag:s18] =	ssyncset.done $0x0;
	(pc) =	sbr.rel @p0 .LBB2_4-.Ltmp1, $4  }
0x4b: {  	[sflag:s18] =	ssyncadd.s32 $0xFFFFEC00  }
0x4c: {  	[spmem:s2] =	stream.indirect.scatter.add.f32 [tilespmem:s17], [sflag:$0x2], $0x40, s16, s16, $0xb8;
	[tilespmem:$0xD020] =	vst v63  }
0x4d: {  	_ =	swait.ge [sflag:s15], $0x1400  }
0x4e: {  	s22 =	smov.u32 s25;
	[sflag:s15] =	ssyncset.done $0x0  }
0x4f: {  	s22 =	sadd.s32 s21, s13;
	[sflag:s15] =	ssyncadd.s32 $0xFFFFEC00  }
0x50: {  	[tilespmem:s3], [sflag:$0x2] =	stream.linear.gather [hbm4b:s22+s3], $0x50, $0x38;
	[tilespmem:$0xD020] =	vst v63  }
0x51: {  	_ =	swait.ge [sflag:s15], $0x50  }
0x52: {  	[sflag:s15] =	ssyncset.done $0x0  }
0x53: {  	s30 =	sadd.s32 s21, s12;
	[sflag:s15] =	ssyncadd.s32 $0xFFFFFFB0  }
0x54: {  	[tilespmem:s16], [sflag:$0x2] =	stream.linear.gather [hbm4b:s30+s3], $0x50, $0x38;
	[tilespmem:$0xD020] =	vst v63  }
0x55: {  	_ =	swait.ge [sflag:s15], $0x50  }
0x56: {  	[sflag:s15] =	ssyncset.done $0x0  }
0x57: {  	[sflag:s15] =	ssyncadd.s32 $0xFFFFFFB0  }
0x58: {  	[tilespmem:s17], [sflag:$0x1] =	stream.indirect.gather [hbm4b:s4+s16], $0x40, s3, s16, $0xb8;
	[tilespmem:$0xD020] =	vst v63  }
0x59: {  	_ =	swait.ge [sflag:s18], $0x1400  }
0x5a: {  	[sflag:s18] =	ssyncset.done $0x0  }
0x5b: {  	[sflag:s18] =	ssyncadd.s32 $0xFFFFEC00  }
0x5c: {  	[spmem:s2] =	stream.indirect.scatter.add.f32 [tilespmem:s17], [sflag:$0x2], $0x40, s16, s16, $0xb8;
	[tilespmem:$0xD020] =	vst v63  }
0x5d: {  	_ =	swait.ge [sflag:s15], $0x1400  }
0x5e: {  	s20 =	sadd.s32 $0x1, s20;
	[sflag:s15] =	ssyncset.done $0x0  }
0x5f: {  	p0 =	sne.s32 s20, s11;
	[sflag:s15] =	ssyncadd.s32 $0xFFFFEC00  }
.Ltmp2:
0x60: {  	s31 =	sshrl.u32 s5, $0x3;
	[bflag:$0x0] =	sbarrier.arrive $0xFFFF;
	(pc) =	sbr.rel @p0 .LBB2_1-.Ltmp2, $4  }
0x61: {  	[hbm:s10], [sflag:s19] =	dma.local [spmem:s31], $0x1388  }
0x62: {  	_ =	swait.ge [sflag:s15], $0x1388  }
0x63: {  	[sflag:s15] =	ssyncset.done $0x0  }
0x64: {  	[sflag:s15] =	ssyncadd.s32 $0xFFFFEC78  }
0x65: {  	_ =	sfence.sel $0x180000  }
0x66: {  	[bflag:$0x0] =	sbarrier.arrive $0xFFFF  }
0x67: {  	p0 =	sne.s32 s0, $0x0;
	_ =	strace $0x9000004D  }
0x68: {  	s0 =	sadd.s32 @!p0 $0x100000, s1;
	[bflag:$0x2] =	sbarrier.arrive $0xFFFF  }
0x69: {  	[sflag:s0] =	ssyncadd.tile.s32 @!p0 $0x1;
	_ =	shalt  }
.Lfunc_end2:
_tile_overlayer_lowered:
.L_overlay_start_2:
0x6a: {  	(tag) =	ssettag $0x2  }
0x6b: {  	s0 =	rddreg [dreg:$0x0];
	s2 =	stileid.u32  }
0x6c: {  	s1 =	rddreg [dreg:$0x1];
	p0 =	sne.s32 s2, $0x0  }
0x6d: {  	s3 =	rddreg [dreg:$0x2];
	[bflag:$0x3] =	sbarrier.arrive $0xFFFF;
	s2 =	simm.s32 @!p0 $0x1C02  }
0x6e: {  	[timem:s3], [sflag:s2] =	dma.local @!p0 [hbm:s0], s1  }
0x6f: {  	s0 =	simm.s32 @!p0 $0x2  }
0x70: {  	_ =	swait.ge @!p0 [sflag:s0], s1  }
0x71: {  	s1 =	ssub.s32 @!p0 $0x0, s1;
	[sflag:s0] =	ssyncset.done @!p0 $0x0  }
0x72: {  	[sflag:s0] =	ssyncadd.s32 @!p0 s1  }
0x73: {  	[bflag:$0x3] =	sbarrier.arrive $0xFFFF  }
0x74: {  	_ =	shalt  }

// kernel: kernel.20.cloned.1.call-start
scs
__scs_entry_jumppad:
0x0: {  	(pc) =	sbr.rel $0x88, $3  }
0x1: {  	(tag) =	ssettag $0x0;
	lr =	simm.s32 $0x1  }
0x2: {  	[smem:$0x3F93] =	sst lr;
	_ =	strace $0xD0000000  }
0x3: {  	_ = 	snop  }
0x4: {  	_ = 	snop  }
0x5: {  	_ = 	snop  }
0x6: {  	_ = 	snop  }
0x7: {  	_ = 	snop  }
__scs_overlays_trampoline_lowered:
0x8: {  	[smem:$0x3FA2] =	sst s0  }
0x9: {  	[smem:$0x3FA3] =	sst s1  }
0xa: {  	[smem:$0x3FA4] =	sst s2  }
0xb: {  	[smem:$0x3FA5] =	sst s3  }
0xc: {  	[smem:$0x3FA6] =	sst s4  }
0xd: {  	[smem:$0x3FA7] =	sst s5  }
0xe: {  	[smem:$0x3FA8] =	sst s6  }
0xf: {  	[smem:$0x3FA9] =	sst s7  }
0x10: {  	[smem:$0x3FAA] =	sst s8  }
0x11: {  	[smem:$0x3FAB] =	sst s9;
	s0 =	simm.s32 @!p0 $0x0  }
0x12: {  	s1 =	sld [smem:$0x3F91];
	s0 =	simm.s32 @p0 $0x1  }
0x13: {  	[smem:$0x3FAC] =	sst s0;
	s0 =	simm.s32 @!p1 $0x0  }
0x14: {  	s2 =	sld [smem:$0x3F90];
	s0 =	simm.s32 @p1 $0x1  }
0x15: {  	[smem:$0x3FAD] =	sst s0;
	s0 =	simm.s32 @!p2 $0x0  }
0x16: {  	s3 =	sld [smem:$0x3FDB];
	s0 =	simm.s32 @p2 $0x1  }
0x17: {  	s4 =	simm.s32 $0x1BF5;
	[smem:$0x3FAF] =	sst s0  }
0x18: {  	s0 =	sld [smem:$0x3F92];
	_ =	swait.ge [sflag:s4], $0x0  }
0x19: {  	s7 =	sld [smem:$0x3F93]  }
0x1a: {  	s8 =	sadd.s32 $0xFFFFE003, lr  }
0x1b: {  	s9 =	sadd.s32 $0xFFFFFEF7, lr;
	s5 =	simm.s32 $0xFFFFFFFF;
	p2 =	slt.u32 s8, $0xFFFFF086  }
0x1c: {  	p1 =	slt.u32 s9, $0xF7A;
	s5 =	simm.s32 @!p2 $0x0  }
0x1d: {  	s5 =	simm.s32 @p1 $0x1;
	p0 =	seq.s32 s7, s2  }
0x1e: {  	s7 =	smul.u32 @!p0 $0xF7A, s2;
	p2 =	seq.s32 @!p0 s5, $0x0  }
0x1f: {  	s9 =	smul.u32 $0xF7A, s1;
	s8 =	simm.s32 @!p0 $0x1BF5;
	p2 =	por !p2, p0  }
0x20: {  	[sflag:s8] =	ssyncset.s32 @!p0 $0xFFFFF086;
	s6 =	sadd.s32 @!p0 s3, s7;
	s7 =	simm.s32 @!p0 $0x108  }
0x21: {  	s3 =	sadd.s32 s3, s9;
	s6 =	sadd.s32 @!p0 $0x88, s6;
	s7 =	simm.s32 @p2 $0x1082  }
0x22: {  	[simem:s7], [sflag:s8] =	dma.local @!p0 [hbm:s6], $0xF7A  }
0x23: {  	s9 =	sor.u32 $0xD0000000, s2;
	s6 =	simm.s32 $0x108;
	_ =	swait.ge @!p0 [sflag:s8], $0x0  }
0x24: {  	s3 =	sadd.s32 $0x88, s3;
	s6 =	simm.s32 @!p1 $0x1082;
	[sflag:s4] =	ssyncset.s32 $0xFFFFF086  }
0x25: {  	[simem:s6], [sflag:s4] =	dma.local [hbm:s3], $0xF7A  }
0x26: {  	[smem:$0x3F93] =	sst s1;
	(tag) =	ssettag s2;
	_ =	strace s9  }
0x27: {  	s1 =	sld [smem:$0x3FA3]  }
0x28: {  	s2 =	sld [smem:$0x3FA4]  }
0x29: {  	s4 =	sld [smem:$0x3FA6]  }
0x2a: {  	p0 =	seq.s32 s5, $0x0;
	s5 =	sld [smem:$0x3FA7]  }
0x2b: {  	s6 =	sld [smem:$0x3FA8]  }
0x2c: {  	s7 =	sld [smem:$0x3FA9]  }
0x2d: {  	s3 =	simm.s32 $0x108;
	s8 =	sld [smem:$0x3FAA]  }
0x2e: {  	s3 =	simm.s32 @!p0 $0x1082;
	s9 =	sld [smem:$0x3FAB]  }
0x2f: {  	lr =	sadd.s32 s0, s3;
	s0 =	sld [smem:$0x3FA2]  }
0x30: {  	s3 =	sld [smem:$0x3FA5]  }
0x31: {  	[smem:$0x3FAE] =	sst s10  }
0x32: {  	s10 =	sld [smem:$0x3FAC];
	_ =	sdelay $0x3  }
0x33: {  	p0 =	seq.s32 s10, $0x1;
	s10 =	sld [smem:$0x3FAE];
	_ =	sdelay $0x3  }
0x34: {  	[smem:$0x3FAE] =	sst s10  }
0x35: {  	s10 =	sld [smem:$0x3FAD];
	_ =	sdelay $0x3  }
0x36: {  	p1 =	seq.s32 s10, $0x1;
	s10 =	sld [smem:$0x3FAE];
	_ =	sdelay $0x3  }
0x37: {  	[smem:$0x3FAE] =	sst s10  }
0x38: {  	s10 =	sld [smem:$0x3FAF]  }
0x39: {  	_ = 	snop;
	(pc) =	sbr.ind lr, $3  }
0x3a: {  	_ = 	snop  }
0x3b: {  	_ = 	snop  }
0x3c: {  	p2 =	seq.s32 s10, $0x1;
	s10 =	sld [smem:$0x3FAE]  }
0x3d: {  	_ =	shalt  }
0x3e: {  	_ =	shalt  }
0x3f: {  	_ =	shalt  }
0x40: {  	_ =	shalt  }
0x41: {  	_ =	shalt  }
0x42: {  	_ =	shalt  }
0x43: {  	_ =	shalt  }
0x44: {  	_ =	shalt  }
0x45: {  	_ =	shalt  }
0x46: {  	_ =	shalt  }
0x47: {  	_ =	shalt  }
0x48: {  	_ =	shalt  }
0x49: {  	_ =	shalt  }
0x4a: {  	_ =	shalt  }
0x4b: {  	_ =	shalt  }
0x4c: {  	_ =	shalt  }
0x4d: {  	_ =	shalt  }
0x4e: {  	_ =	shalt  }
0x4f: {  	_ =	shalt  }
0x50: {  	_ =	shalt  }
0x51: {  	_ =	shalt  }
0x52: {  	_ =	shalt  }
0x53: {  	_ =	shalt  }
0x54: {  	_ =	shalt  }
0x55: {  	_ =	shalt  }
0x56: {  	_ =	shalt  }
0x57: {  	_ =	shalt  }
0x58: {  	_ =	shalt  }
0x59: {  	_ =	shalt  }
0x5a: {  	_ =	shalt  }
0x5b: {  	_ =	shalt  }
0x5c: {  	_ =	shalt  }
0x5d: {  	_ =	shalt  }
0x5e: {  	_ =	shalt  }
0x5f: {  	_ =	shalt  }
0x60: {  	_ =	shalt  }
0x61: {  	_ =	shalt  }
0x62: {  	_ =	shalt  }
0x63: {  	_ =	shalt  }
0x64: {  	_ =	shalt  }
0x65: {  	_ =	shalt  }
0x66: {  	_ =	shalt  }
0x67: {  	_ =	shalt  }
0x68: {  	_ =	shalt  }
0x69: {  	_ =	shalt  }
0x6a: {  	_ =	shalt  }
0x6b: {  	_ =	shalt  }
0x6c: {  	_ =	shalt  }
0x6d: {  	_ =	shalt  }
0x6e: {  	_ =	shalt  }
0x6f: {  	_ =	shalt  }
0x70: {  	_ =	shalt  }
0x71: {  	_ =	shalt  }
0x72: {  	_ =	shalt  }
0x73: {  	_ =	shalt  }
0x74: {  	_ =	shalt  }
0x75: {  	_ =	shalt  }
0x76: {  	_ =	shalt  }
0x77: {  	_ =	shalt  }
0x78: {  	_ =	shalt  }
0x79: {  	_ =	shalt  }
0x7a: {  	_ =	shalt  }
0x7b: {  	_ =	shalt  }
0x7c: {  	_ =	shalt  }
0x7d: {  	_ =	shalt  }
0x7e: {  	_ =	shalt  }
0x7f: {  	_ =	shalt  }
0x80: {  	_ =	shalt  }
0x81: {  	_ =	shalt  }
0x82: {  	_ =	shalt  }
0x83: {  	_ =	shalt  }
0x84: {  	_ =	shalt  }
0x85: {  	_ =	shalt  }
0x86: {  	_ =	shalt  }
0x87: {  	_ =	shalt  }
.Lfunc_end0:
.L_simem_size_0:
called_computation.3_lowered:
.L_overlay_start_0:
0x88: {  	s2 =	sld [smem:$0x3FD9]  }
0x89: {  	s3 =	sld [smem:$0x3FFE];
	_ =	sdelay $0x1  }
0x8a: {  	s1 =	srdreg.scid  }
0x8b: {  	s0 =	sand.u32 $0x1, s1  }
0x8c: {  	s16 =	sshll.u32 s0, $0xA;
	s2 =	sadd.s32 s3, s2  }
0x8d: {  	s2 =	sadd.s32 s2, s16  }
0x8e: {  	[smem:$0x3FBA] =	sst s2  }
0x8f: {  	_ = 	snop  }
0x90: {  	(tm) =	ssettm $0x1  }
0x91: {  	s17 =	sld [smem:$0x3FFB];
	_ =	sdelay $0x3  }
0x92: {  	_ =	strace s17  }
0x93: {  	s2 =	sld [smem:$0x3FFC];
	_ =	sdelay $0x3  }
0x94: {  	_ =	strace s2  }
0x95: {  	s2 =	sld [smem:$0x3FFD];
	_ =	sdelay $0x3  }
0x96: {  	_ =	strace s2  }
0x97: {  	_ =	strace $0x8FFFFFFF  }
0x98: {  	s18 =	sld [smem:$0x3FDB];
	_ =	sdelay $0x1  }
0x99: {  	s19 =	simm.s32 $_scs_section_size  }
0x9a: {  	s4 =	simm.s32 $_size__tile_overlayer_lowered;
	s5 =	simm.s32 $_tile_overlayer_lowered  }
0x9b: {  	s22 =	simm.s32 $0x1BFF;
	s21 =	sshll.u32 s5, $0x1;
	s2 =	sadd.s32 s19, s18  }
0x9c: {  	s6 =	simm.s32 $0x0;
	s20 =	sshll.u32 s4, $0x1;
	s4 =	sadd.s32 s21, s2  }
0x9d: {  	[timem:s6], [sflag:s22] =	dma.local [hbm:s4], s20  }
0x9e: {  	_ =	swait.ge [sflag:s22], s20  }
0x9f: {  	s3 =	ssub.s32 $0x0, s20;
	[sflag:s22] =	ssyncset.done $0x0  }
0xa0: {  	[sflag:s22] =	ssyncadd.s32 s3;
	_ =	sdelay $0x1  }
0xa1: {  	s23 =	simm.s32 $0x1B8B  }
0xa2: {  	_ =	swait.ge [sflag:s23], $0x1  }
0xa3: {  	[sflag:s23] =	ssyncset.done $0x0  }
0xa4: {  	s25 =	simm.s32 $0x1B8E;
	s24 =	sld [smem:$0x3FFE];
	[sflag:s23] =	ssyncadd.s32 $0xFFFFFFFF  }
0xa5: {  	s26 =	simm.s32 $execute0_lowered;
	[smem:$0x3FD2] =	sst s25  }
0xa6: {  	s4 =	sshll.u32 s26, $0x1;
	_ =	strace $0x8000004F;
	[dreg:$0x1] =	wrdreg $0xFFFFFFFF  }
0xa7: {  	s28 =	simm.s32 $_size_execute0_lowered;
	s2 =	sadd.s32 s2, s4;
	[dreg:$0x0] =	wrdreg $0x0  }
0xa8: {  	s4 =	sshll.u32 s28, $0x1;
	[dreg:$0x2] =	wrdreg s2  }
0xa9: {  	[dreg:$0x3] =	wrdreg s4  }
0xaa: {  	[dreg:$0x4] =	wrdreg $0xC0  }
0xab: {  	_ =	task [dreg:s6], $0x5FFFF  }
0xac: {  	[dreg:$0x1] =	wrdreg $0xFFFFFFFF  }
0xad: {  	[dreg:$0x0] =	wrdreg $0x60  }
0xae: {  	[dreg:$0x2] =	wrdreg s24  }
0xaf: {  	[dreg:$0x3] =	wrdreg $0x33E00  }
0xb0: {  	[dreg:$0x4] =	wrdreg $0x9  }
0xb1: {  	_ =	task.clear_ibuf [dreg:s6], $0x5FFFF;
	_ =	strace $0x9000004F  }
0xb2: {  	s29 =	simm.s32 $0x9;
	_ =	strace $0x80000051  }
0xb3: {  	_ =	swait.ge [sflag:s29], $0x1  }
0xb4: {  	[sflag:s29] =	ssyncadd.s32 $0xFFFFFFFF  }
0xb5: {  	_ =	strace $0x90000051  }
0xb6: {  	_ =	sfence  }
0xb7: {  	s30 =	sld [smem:$0x0];
	_ =	sdelay $0x2  }
0xb8: {  	s31 =	sshll.u32 s1, $0xD;
	s1 =	sshrl.u32 s1, $0x2  }
0xb9: {  	s3 =	sand.u32 $0x4000, s31;
	s1 =	sadd.s32 s1, s30  }
0xba: {  	s0 =	sor.u32 s3, s0;
	s1 =	sshll.u32 s1, $0x11  }
0xbb: {  	s0 =	sor.u32 s1, s0  }
0xbc: {  	s0 =	sadd.s32 $0x8F2B, s0  }
0xbd: {  	[sflag:s0] =	ssyncadd.remote.s32 $0x1  }
0xbe: {  	_ =	sfence.sel $0xFFFF  }
0xbf: {  	[dreg:$0x0] =	wrdreg $0xFFFFFFFF;
	(pc) =	sbr.abs _section_cstart, $3  }
0xc0: {  	[dreg:$0x1] =	wrdreg $0xFFFFFFFF  }
0xc1: {  	_ =	task.clear_ibuf [dreg:s6], $0x2FFFF;
	_ =	strace $0x9FFFFFFF  }
0xc2: {  	(tm) =	ssettm $0x7FFFFFFF  }
0xc3: {  	_ =	shalt  }
tec
execute0_lowered:
.L_overlay_start_1:
0x0: {  	(tag) =	ssettag $0x1  }
0x1: {  	s1 =	srdreg.scid;
	s5 =	rddreg [dreg:$0x0]  }
0x2: {  	s0 =	stileid.u32;
	s2 =	rddreg [dreg:$0x1]  }
0x3: {  	s3 =	simm.s32 $0x0;
	s14 =	simm.s32 $0x14A0;
	s15 =	simm.s32 $0x2  }
0x4: {  	s16 =	simm.s32 $0x50;
	s17 =	simm.s32 $0xA0;
	s4 =	smul.u32 $0x4E20, s0  }
0x5: {  	s18 =	simm.s32 $0x1;
	s20 =	simm.s32 $0x0;
	s8 =	smul.u32 $0x9C40, s0  }
0x6: {  	s6 =	sand.u32 $0x1, s1;
	s1 =	rddreg [dreg:$0x2];
	s10 =	smul.u32 $0x27100, s0  }
0x7: {  	[smem:$0x7FF] =	sst s3;
	s19 =	sshll.u32 s0, $0x6;
	s7 =	smul.u32 $0x2710, s6  }
0x8: {  	s28 =	smul.u32 $0x9C400, s6;
	_ =	strace $0x80000050;
	s6 =	ssub.s32 $0x2, s6  }
0x9: {  	s19 =	sor.u32 $0x1C02, s19;
	s29 =	sshrl.u32 s10, $0x2;
	s31 =	sshrl.u32 s6, $0x1  }
0xa: {  	s4 =	sadd.s32 s7, s4;
	s7 =	sadd.s32 s8, s28;
	s11 =	ssub.s32 s6, s31  }
0xb: {  	s9 =	sshrl.u32 s4, $0x3;
	s4 =	sadd.s32 $0x16800, s5;
	s7 =	sshrl.u32 s7, $0x3  }
0xc: {  	s11 =	smax.u32 s11, $0x1;
	s13 =	sadd.s32 s9, s5;
	s9 =	sadd.s32 s29, s2  }
0xd: {  	s30 =	sadd.s32 s7, s5;
	s5 =	sadd.s32 s8, s2;
	s6 =	sadd.s32 $0x1F40, s9  }
0xe: {  	s7 =	sadd.s32 $0x3E80, s9;
	s8 =	sadd.s32 $0x5DC0, s9;
	s9 =	sadd.s32 $0x7D00, s9  }
0xf: {  	v0 =	vimm.f32 $0.0e+00;
	s10 =	sadd.s32 $0x2A200, s30;
	s12 =	sadd.s32 $0xCA00, s13;
	s13 =	sadd.s32 $0x2C00, s13  }
.LBB2_1:
0x10: {  	s22 =	simm.s32 $0x100;
	s21 =	simm.s32 $0x0  }
.LBB2_2:
0x11: {  	p0 =	sne.s32 s22, $0x7C00;
	[tilespmem:s21+$0x14D0] =	vst v0;
	s23 =	smov.u32 s22;
	s22 =	sadd.s32 $0x100, s22  }
.Ltmp0:
0x12: {  	[tilespmem:s21+$0x14C0] =	vst v0;
	(pc) =	sbr.rel @p0 .LBB2_2-.Ltmp0, $3  }
0x13: {  	[tilespmem:s21+$0x14A0] =	vst v0  }
0x14: {  	[tilespmem:s21+$0x14B0] =	vst v0;
	_ =	sdelay $0x1  }
0x15: {  	s21 =	sshra.s32 s23, $0x2  }
0x16: {  	[tilespmem:s21+$0x14D0] =	vst v0  }
0x17: {  	[tilespmem:s21+$0x14C0] =	vst v0  }
0x18: {  	[tilespmem:s21+$0x14A0] =	vst v0  }
0x19: {  	[tilespmem:s21+$0x14B0] =	vst v0  }
0x1a: {  	[spmem:s5] =	stream.linear.scatter [tilespmem:s14], [sflag:$0x2], $0x1F40, $0x38;
	[tilespmem:$0xD020] =	vst v63  }
0x1b: {  	_ =	swait.ge [sflag:s15], $0x1F40  }
0x1c: {  	[sflag:s15] =	ssyncset.done $0x0  }
0x1d: {  	[sflag:s15] =	ssyncadd.s32 $0xFFFFE0C0  }
0x1e: {  	[spmem:s6] =	stream.linear.scatter [tilespmem:s14], [sflag:$0x2], $0x1F40, $0x38;
	[tilespmem:$0xD020] =	vst v63  }
0x1f: {  	_ =	swait.ge [sflag:s15], $0x1F40  }
0x20: {  	[sflag:s15] =	ssyncset.done $0x0  }
0x21: {  	[sflag:s15] =	ssyncadd.s32 $0xFFFFE0C0  }
0x22: {  	[spmem:s7] =	stream.linear.scatter [tilespmem:s14], [sflag:$0x2], $0x1F40, $0x38;
	[tilespmem:$0xD020] =	vst v63  }
0x23: {  	_ =	swait.ge [sflag:s15], $0x1F40  }
0x24: {  	[sflag:s15] =	ssyncset.done $0x0  }
0x25: {  	[sflag:s15] =	ssyncadd.s32 $0xFFFFE0C0  }
0x26: {  	[spmem:s8] =	stream.linear.scatter [tilespmem:s14], [sflag:$0x2], $0x1F40, $0x38;
	[tilespmem:$0xD020] =	vst v63  }
0x27: {  	_ =	swait.ge [sflag:s15], $0x1F40  }
0x28: {  	[sflag:s15] =	ssyncset.done $0x0  }
0x29: {  	[sflag:s15] =	ssyncadd.s32 $0xFFFFE0C0  }
0x2a: {  	[spmem:s9] =	stream.linear.scatter [tilespmem:s14], [sflag:$0x2], $0x1F40, $0x38;
	[tilespmem:$0xD020] =	vst v63  }
0x2b: {  	_ =	swait.ge [sflag:s15], $0x1F40  }
0x2c: {  	[sflag:s15] =	ssyncset.done $0x0  }
0x2d: {  	[sflag:s15] =	ssyncadd.s32 $0xFFFFE0C0  }
0x2e: {  	s30 =	sadd.s32 $0x0, s13;
	[bflag:$0x0] =	sbarrier.arrive $0xFFFF  }
0x2f: {  	[tilespmem:s3], [sflag:$0x2] =	stream.linear.gather [hbm4b:s30+s3], $0x50, $0x38;
	[tilespmem:$0xD020] =	vst v63  }
0x30: {  	_ =	swait.ge [sflag:s15], $0x50  }
0x31: {  	[sflag:s15] =	ssyncset.done $0x0  }
0x32: {  	s31 =	sadd.s32 $0x0, s12;
	[sflag:s15] =	ssyncadd.s32 $0xFFFFFFB0  }
0x33: {  	[tilespmem:s16], [sflag:$0x2] =	stream.linear.gather [hbm4b:s31+s3], $0x50, $0x38;
	[tilespmem:$0xD020] =	vst v63  }
0x34: {  	_ =	swait.ge [sflag:s15], $0x50  }
0x35: {  	[sflag:s15] =	ssyncset.done $0x0  }
0x36: {  	[sflag:s15] =	ssyncadd.s32 $0xFFFFFFB0  }
0x37: {  	[tilespmem:s17], [sflag:$0x1] =	stream.indirect.gather [hbm4b:s4+s16], $0x40, s3, s16, $0xb8;
	[tilespmem:$0xD020] =	vst v63  }
0x38: {  	_ =	swait.ge [sflag:s18], $0x1400  }
0x39: {  	[sflag:s18] =	ssyncset.done $0x0  }
0x3a: {  	[sflag:s18] =	ssyncadd.s32 $0xFFFFEC00  }
0x3b: {  	[spmem:s2] =	stream.indirect.scatter.add.f32 [tilespmem:s17], [sflag:$0x2], $0x40, s16, s16, $0xb8;
	[tilespmem:$0xD020] =	vst v63  }
0x3c: {  	_ =	swait.ge [sflag:s15], $0x1400  }
0x3d: {  	s21 =	simm.s32 $0xA;
	s22 =	simm.s32 $0x14;
	[sflag:s15] =	ssyncset.done $0x0  }
.LBB2_4:
0x3e: {  	s23 =	sadd.s32 s21, s13  }
0x3f: {  	[sflag:s15] =	ssyncadd.s32 $0xFFFFEC00;
	s24 =	smov.u32 s22;
	s25 =	sadd.s32 $0xA, s22  }
0x40: {  	[tilespmem:s3], [sflag:$0x2] =	stream.linear.gather [hbm4b:s23+s3], $0x50, $0x38;
	[tilespmem:$0xD020] =	vst v63  }
0x41: {  	p0 =	sne.s32 s22, $0x4D8;
	_ =	swait.ge [sflag:s15], $0x50  }
0x42: {  	[sflag:s15] =	ssyncset.done $0x0  }
0x43: {  	s22 =	sadd.s32 s21, s12;
	s21 =	smov.u32 s24;
	[sflag:s15] =	ssyncadd.s32 $0xFFFFFFB0  }
0x44: {  	[tilespmem:s16], [sflag:$0x2] =	stream.linear.gather [hbm4b:s22+s3], $0x50, $0x38;
	[tilespmem:$0xD020] =	vst v63  }
0x45: {  	_ =	swait.ge [sflag:s15], $0x50  }
0x46: {  	[sflag:s15] =	ssyncset.done $0x0  }
0x47: {  	[sflag:s15] =	ssyncadd.s32 $0xFFFFFFB0  }
0x48: {  	[tilespmem:s17], [sflag:$0x1] =	stream.indirect.gather [hbm4b:s4+s16], $0x40, s3, s16, $0xb8;
	[tilespmem:$0xD020] =	vst v63  }
0x49: {  	_ =	swait.ge [sflag:s18], $0x1400  }
.Ltmp1:
0x4a: {  	[sflag:s18] =	ssyncset.done $0x0;
	(pc) =	sbr.rel @p0 .LBB2_4-.Ltmp1, $4  }
0x4b: {  	[sflag:s18] =	ssyncadd.s32 $0xFFFFEC00  }
0x4c: {  	[spmem:s2] =	stream.indirect.scatter.add.f32 [tilespmem:s17], [sflag:$0x2], $0x40, s16, s16, $0xb8;
	[tilespmem:$0xD020] =	vst v63  }
0x4d: {  	_ =	swait.ge [sflag:s15], $0x1400  }
0x4e: {  	s22 =	smov.u32 s25;
	[sflag:s15] =	ssyncset.done $0x0  }
0x4f: {  	s22 =	sadd.s32 s21, s13;
	[sflag:s15] =	ssyncadd.s32 $0xFFFFEC00  }
0x50: {  	[tilespmem:s3], [sflag:$0x2] =	stream.linear.gather [hbm4b:s22+s3], $0x50, $0x38;
	[tilespmem:$0xD020] =	vst v63  }
0x51: {  	_ =	swait.ge [sflag:s15], $0x50  }
0x52: {  	[sflag:s15] =	ssyncset.done $0x0  }
0x53: {  	s30 =	sadd.s32 s21, s12;
	[sflag:s15] =	ssyncadd.s32 $0xFFFFFFB0  }
0x54: {  	[tilespmem:s16], [sflag:$0x2] =	stream.linear.gather [hbm4b:s30+s3], $0x50, $0x38;
	[tilespmem:$0xD020] =	vst v63  }
0x55: {  	_ =	swait.ge [sflag:s15], $0x50  }
0x56: {  	[sflag:s15] =	ssyncset.done $0x0  }
0x57: {  	[sflag:s15] =	ssyncadd.s32 $0xFFFFFFB0  }
0x58: {  	[tilespmem:s17], [sflag:$0x1] =	stream.indirect.gather [hbm4b:s4+s16], $0x40, s3, s16, $0xb8;
	[tilespmem:$0xD020] =	vst v63  }
0x59: {  	_ =	swait.ge [sflag:s18], $0x1400  }
0x5a: {  	[sflag:s18] =	ssyncset.done $0x0  }
0x5b: {  	[sflag:s18] =	ssyncadd.s32 $0xFFFFEC00  }
0x5c: {  	[spmem:s2] =	stream.indirect.scatter.add.f32 [tilespmem:s17], [sflag:$0x2], $0x40, s16, s16, $0xb8;
	[tilespmem:$0xD020] =	vst v63  }
0x5d: {  	_ =	swait.ge [sflag:s15], $0x1400  }
0x5e: {  	s20 =	sadd.s32 $0x1, s20;
	[sflag:s15] =	ssyncset.done $0x0  }
0x5f: {  	p0 =	sne.s32 s20, s11;
	[sflag:s15] =	ssyncadd.s32 $0xFFFFEC00  }
.Ltmp2:
0x60: {  	s31 =	sshrl.u32 s5, $0x3;
	[bflag:$0x0] =	sbarrier.arrive $0xFFFF;
	(pc) =	sbr.rel @p0 .LBB2_1-.Ltmp2, $4  }
0x61: {  	[hbm:s10], [sflag:s19] =	dma.local [spmem:s31], $0x1388  }
0x62: {  	_ =	swait.ge [sflag:s15], $0x1388  }
0x63: {  	[sflag:s15] =	ssyncset.done $0x0  }
0x64: {  	[sflag:s15] =	ssyncadd.s32 $0xFFFFEC78  }
0x65: {  	_ =	sfence.sel $0x180000  }
0x66: {  	[bflag:$0x0] =	sbarrier.arrive $0xFFFF  }
0x67: {  	p0 =	sne.s32 s0, $0x0;
	_ =	strace $0x90000050  }
0x68: {  	s0 =	sadd.s32 @!p0 $0x100000, s1;
	[bflag:$0x2] =	sbarrier.arrive $0xFFFF  }
0x69: {  	[sflag:s0] =	ssyncadd.tile.s32 @!p0 $0x1;
	_ =	shalt  }
.Lfunc_end2:
_tile_overlayer_lowered:
.L_overlay_start_2:
0x6a: {  	(tag) =	ssettag $0x2  }
0x6b: {  	s0 =	rddreg [dreg:$0x0];
	s2 =	stileid.u32  }
0x6c: {  	s1 =	rddreg [dreg:$0x1];
	p0 =	sne.s32 s2, $0x0  }
0x6d: {  	s3 =	rddreg [dreg:$0x2];
	[bflag:$0x3] =	sbarrier.arrive $0xFFFF;
	s2 =	simm.s32 @!p0 $0x1C02  }
0x6e: {  	[timem:s3], [sflag:s2] =	dma.local @!p0 [hbm:s0], s1  }
0x6f: {  	s0 =	simm.s32 @!p0 $0x2  }
0x70: {  	_ =	swait.ge @!p0 [sflag:s0], s1  }
0x71: {  	s1 =	ssub.s32 @!p0 $0x0, s1;
	[sflag:s0] =	ssyncset.done @!p0 $0x0  }
0x72: {  	[sflag:s0] =	ssyncadd.s32 @!p0 s1  }
0x73: {  	[bflag:$0x3] =	sbarrier.arrive $0xFFFF  }
0x74: {  	_ =	shalt  }

</sc_bundles>
